<compile_context>
chip_gen: v7x
topology: tpu7x:2x2x1
jax: 0.10.2.dev20260603
libtpu: 0.0.44.dev20260713+nightly
codegen_flags: <defaults>
</compile_context>

<pallas_src>
import functools

import jax
import jax.numpy as jnp
from jax import lax
from jax.experimental import pallas as pl
from jax.experimental.pallas import tpu as pltpu
from jax.experimental.pallas import tpu_sc as plsc

CHUNK = 2048
MAXP = 7
LANES = 16


def _sc_routing_body(num_chunks, zrow, batch, n_hbm, m_hbm, out_hbm, n_v, m_v, out_v):
    @pl.when((lax.axis_index("c") == 0) & (lax.axis_index("s") == 0))
    def _():
        pltpu.sync_copy(n_hbm, n_v)
        pltpu.sync_copy(m_hbm, m_v)
        n = n_v[...]
        lane = lax.iota(jnp.int32, LANES)
        start = jnp.zeros((LANES,), jnp.int32)
        for k in range(batch):
            bk = plsc.load_gather(n_v, [jnp.full((LANES,), batch + k, jnp.int32)])
            start = start + jnp.where(lane > k, bk + 1, 0)
        start = jnp.clip(start, 0, num_chunks)
        npk = jnp.minimum(n, m_v[...])
        for j in range(MAXP):
            valid = (npk > j) & (lane < batch)
            out_v[j, :] = jnp.where(valid, start + j, zrow)
        pltpu.sync_copy(out_v, out_hbm)


def _tc_body(num_chunks, zrow, batch, cpb, src_ref, scale_ref, x_ref, out_ref, means):
    c = pl.program_id(0)

    @pl.when(c == 0)
    def _():
        means[pl.ds(num_chunks, zrow + 1 - num_chunks), :] = jnp.zeros(
            (zrow + 1 - num_chunks, means.shape[1]), jnp.float32
        )

    blk = x_ref[...].reshape(cpb, CHUNK, means.shape[1])
    sums = jnp.sum(blk, axis=1) * scale_ref[0]
    for k in range(cpb):
        means[pl.ds(c * cpb + k, 1), :] = sums[k : k + 1]

    @pl.when(c == num_chunks // cpb - 1)
    def _():
        for i in range(batch):
            for j in range(MAXP):
                v = src_ref[j * LANES + i]
                out_ref[pl.ds(i, 1), pl.ds(j, 1), :] = means[pl.ds(v, 1), :].reshape(
                    1, 1, means.shape[1]
                )


def kernel(x, chunk_size, n_peaks, max_n_peaks):
    batch, length, embed = x.shape
    xf = x.reshape(-1, embed)
    num_chunks = xf.shape[0] // CHUNK
    zrow = num_chunks + MAXP

    n32 = n_peaks.astype(jnp.int32)
    n_pad = (
        jnp.zeros((LANES,), jnp.int32)
        .at[:batch]
        .set(n32)
        .at[batch : 2 * batch]
        .set(n32)
    )
    maxv = jnp.full((LANES,), max_n_peaks, dtype=jnp.int32)

    mesh = plsc.VectorSubcoreMesh(core_axis_name="c", subcore_axis_name="s")
    src = pl.kernel(
        functools.partial(_sc_routing_body, num_chunks, zrow, batch),
        out_type=jax.ShapeDtypeStruct((MAXP, LANES), jnp.int32),
        mesh=mesh,
        compiler_params=pltpu.CompilerParams(needs_layout_passes=False),
        scratch_types=[
            pltpu.VMEM((LANES,), jnp.int32),
            pltpu.VMEM((LANES,), jnp.int32),
            pltpu.VMEM((MAXP, LANES), jnp.int32),
        ],
    )(n_pad, maxv)

    scale = (1.0 / jnp.asarray(chunk_size, jnp.float32)).reshape(1)

    cpb = 2
    out = pl.pallas_call(
        functools.partial(_tc_body, num_chunks, zrow, batch, cpb),
        grid=(num_chunks // cpb,),
        in_specs=[
            pl.BlockSpec(memory_space=pltpu.SMEM),
            pl.BlockSpec(memory_space=pltpu.SMEM),
            pl.BlockSpec((cpb * CHUNK, embed), lambda c: (c, 0)),
        ],
        out_specs=pl.BlockSpec((batch, MAXP, embed), lambda c: (0, 0, 0)),
        out_shape=jax.ShapeDtypeStruct((batch, MAXP, embed), jnp.float32),
        scratch_shapes=[pltpu.VMEM((zrow + 1, embed), jnp.float32)],
    )(src.reshape(-1), scale, xf)
    return out

# --- scband reference (transcript-rebuilt; emitter-appended) ---
"""Pipeline reference for scband-split-pool-41824391528701 (READ-ONLY COPY).

The authoritative reference and input builder live on the scoring server;
editing this copy changes nothing except your own understanding.
"""

import jax, jax.numpy as jnp
import numpy as np


def setup_inputs(seed: int = 0) -> dict:
    key = jax.random.key(seed)
    x = jax.random.normal(key, (8, 9216, 512), dtype=jnp.float32)
    n_peaks = jnp.arange(8, dtype=jnp.int32)
    return {"x": x, "chunk_size": 2048, "n_peaks": n_peaks, "max_n_peaks": 7}


def reference(x, chunk_size, n_peaks, max_n_peaks):
    # Faithful translation of SplitPool.forward with pool_method='mean'.
    batch, length, embed_dim = x.shape
    flat = x.reshape(-1, embed_dim)
    # torch.split with an int chunk_size and an evenly-divisible length is an
    # exact equal-size split: (num_chunks, chunk_size, embed_dim)
    num_chunks = flat.shape[0] // 2048
    chunks = flat.reshape(num_chunks, 2048, embed_dim)
    chunk_means = chunks.sum(axis=1) / jnp.asarray(chunk_size, dtype=x.dtype)
    pool_idx = jnp.cumsum(n_peaks + 1)
    pool_start = jnp.concatenate([jnp.zeros(1, dtype=pool_idx.dtype), pool_idx[:-1]])
    padded_means = jnp.concatenate(
        [chunk_means, jnp.zeros((7, embed_dim), dtype=x.dtype)], axis=0
    )
    row_ids = jnp.arange(7, dtype=n_peaks.dtype)
    outs = []
    for i in range(batch):
        seg = jax.lax.dynamic_slice(padded_means, (pool_start[i], 0), (7, embed_dim))
        valid = row_ids < jnp.minimum(n_peaks[i], max_n_peaks)
        outs.append(jnp.where(valid[:, None], seg, jnp.zeros_like(seg)))
    return jnp.stack(outs)

if __name__ == "__main__":
    import jax
    _d = setup_inputs()
    print(jax.jit(kernel)(*tuple(_d.values())))

</pallas_src>

<mosaic_0001>
#map = affine_map<(d0, d1) -> (0)>
#map1 = affine_map<(d0, d1) -> (0, 0)>
module attributes {stable_mosaic.version = 14 : i64} {
  func.func @_sc_routing_body(%arg0: i32, %arg1: i32, %arg2: memref<16xi32, #tpu.memory_space<hbm>>, %arg3: memref<16xi32, #tpu.memory_space<hbm>>, %arg4: memref<7x16xi32, #tpu.memory_space<hbm>>, %arg5: memref<16xi32, #tpu.memory_space<vmem>>, %arg6: memref<16xi32, #tpu.memory_space<vmem>>, %arg7: memref<7x16xi32, #tpu.memory_space<vmem>>) attributes {dimension_semantics = [#tpu.dimension_semantics<core_parallel>, #tpu.dimension_semantics<subcore_parallel>], iteration_bounds = array<i64: 2, 16>, scalar_prefetch = 0 : i64, scratch_operands = 3 : i64, tpu.core_type = #tpu.core_type<sc_vector_subcore>, window_params = [{transform_indices = #map}, {transform_indices = #map}, {transform_indices = #map1}]} {
    %eq3A = arith.constant 0 : i32
    %eq3A_0 = arith.cmpi eq, %arg0, %eq3A : i32
    %eq3A_1 = arith.constant 0 : i32
    %eq3A_2 = arith.cmpi eq, %arg1, %eq3A_1 : i32
    %and3A = arith.andi %eq3A_0, %eq3A_2 : i1
    %convert_element_type3A = arith.extui %and3A : i1 to i32
    %cond3A = arith.constant 0 : i32
    %cond3A_3 = arith.cmpi ne, %convert_element_type3A, %cond3A : i32
    scf.if %cond3A_3 {
      "tpu.region"() ({
        %run_scoped3A = tpu.sem_alloc : memref<!tpu.dma_semaphore, #tpu.memory_space<semaphore_mem>>
        tpu.enqueue_dma source(%arg2 : memref<16xi32, #tpu.memory_space<hbm>>) target(%arg5 : memref<16xi32, #tpu.memory_space<vmem>>) target_semaphore(%run_scoped3A : memref<!tpu.dma_semaphore, #tpu.memory_space<semaphore_mem>>)
        tpu.wait_dma2 semaphore(%run_scoped3A : memref<!tpu.dma_semaphore, #tpu.memory_space<semaphore_mem>>) src(%arg2 : memref<16xi32, #tpu.memory_space<hbm>>) dst(%arg5 : memref<16xi32, #tpu.memory_space<vmem>>)
        tpu.yield
      }) : () -> ()
      "tpu.region"() ({
        %run_scoped3A = tpu.sem_alloc : memref<!tpu.dma_semaphore, #tpu.memory_space<semaphore_mem>>
        tpu.enqueue_dma source(%arg3 : memref<16xi32, #tpu.memory_space<hbm>>) target(%arg6 : memref<16xi32, #tpu.memory_space<vmem>>) target_semaphore(%run_scoped3A : memref<!tpu.dma_semaphore, #tpu.memory_space<semaphore_mem>>)
        tpu.wait_dma2 semaphore(%run_scoped3A : memref<!tpu.dma_semaphore, #tpu.memory_space<semaphore_mem>>) src(%arg3 : memref<16xi32, #tpu.memory_space<hbm>>) dst(%arg6 : memref<16xi32, #tpu.memory_space<vmem>>)
        tpu.yield
      }) : () -> ()
      %get3A = arith.constant 0 : index
      %get3A_4 = tpu.vector_load %arg5[%get3A] {strides = array<i32>} : memref<16xi32, #tpu.memory_space<vmem>>, vector<16xi32>,
      %iota3A = tpu.iota {dimensions = array<i32: 0>} : vector<16xi32>
      %broadcast_in_dim3A = arith.constant 0 : i32
      %broadcast_in_dim3A_5 = vector.broadcast %broadcast_in_dim3A : i32 to vector<16xi32>
      %broadcast_in_dim3A_6 = arith.constant 8 : i32
      %broadcast_in_dim3A_7 = vector.broadcast %broadcast_in_dim3A_6 : i32 to vector<16xi32>
      %gather3A = tpu.vector_load_idx %arg5[%broadcast_in_dim3A_7] : memref<16xi32, #tpu.memory_space<vmem>>[vector<16xi32>], vector<16xi32>,
      %gt3A = arith.constant 0 : i32
      %gt3A_8 = vector.broadcast %gt3A : i32 to vector<16xi32>
      %gt3A_9 = arith.cmpi sgt, %iota3A, %gt3A_8 : vector<16xi32>
      %add3A = arith.constant 1 : i32
      %add3A_10 = vector.broadcast %add3A : i32 to vector<16xi32>
      %add3A_11 = arith.addi %gather3A, %add3A_10 : vector<16xi32>
      %jit3A = arith.constant 0 : i32
      %broadcast_in_dim3A_12 = vector.broadcast %jit3A : i32 to vector<16xi32>
      %select_n3A = arith.select %gt3A_9, %add3A_11, %broadcast_in_dim3A_12 : vector<16xi1>, vector<16xi32>
      %add3A_13 = arith.addi %broadcast_in_dim3A_5, %select_n3A : vector<16xi32>
      %broadcast_in_dim3A_14 = arith.constant 9 : i32
      %broadcast_in_dim3A_15 = vector.broadcast %broadcast_in_dim3A_14 : i32 to vector<16xi32>
      %gather3A_16 = tpu.vector_load_idx %arg5[%broadcast_in_dim3A_15] : memref<16xi32, #tpu.memory_space<vmem>>[vector<16xi32>], vector<16xi32>,
      %gt3A_17 = arith.constant 1 : i32
      %gt3A_18 = vector.broadcast %gt3A_17 : i32 to vector<16xi32>
      %gt3A_19 = arith.cmpi sgt, %iota3A, %gt3A_18 : vector<16xi32>
      %add3A_20 = arith.constant 1 : i32
      %add3A_21 = vector.broadcast %add3A_20 : i32 to vector<16xi32>
      %add3A_22 = arith.addi %gather3A_16, %add3A_21 : vector<16xi32>
      %jit3A_23 = arith.constant 0 : i32
      %broadcast_in_dim3A_24 = vector.broadcast %jit3A_23 : i32 to vector<16xi32>
      %select_n3A_25 = arith.select %gt3A_19, %add3A_22, %broadcast_in_dim3A_24 : vector<16xi1>, vector<16xi32>
      %add3A_26 = arith.addi %add3A_13, %select_n3A_25 : vector<16xi32>
      %broadcast_in_dim3A_27 = arith.constant 10 : i32
      %broadcast_in_dim3A_28 = vector.broadcast %broadcast_in_dim3A_27 : i32 to vector<16xi32>
      %gather3A_29 = tpu.vector_load_idx %arg5[%broadcast_in_dim3A_28] : memref<16xi32, #tpu.memory_space<vmem>>[vector<16xi32>], vector<16xi32>,
      %gt3A_30 = arith.constant 2 : i32
      %gt3A_31 = vector.broadcast %gt3A_30 : i32 to vector<16xi32>
      %gt3A_32 = arith.cmpi sgt, %iota3A, %gt3A_31 : vector<16xi32>
      %add3A_33 = arith.constant 1 : i32
      %add3A_34 = vector.broadcast %add3A_33 : i32 to vector<16xi32>
      %add3A_35 = arith.addi %gather3A_29, %add3A_34 : vector<16xi32>
      %jit3A_36 = arith.constant 0 : i32
      %broadcast_in_dim3A_37 = vector.broadcast %jit3A_36 : i32 to vector<16xi32>
      %select_n3A_38 = arith.select %gt3A_32, %add3A_35, %broadcast_in_dim3A_37 : vector<16xi1>, vector<16xi32>
      %add3A_39 = arith.addi %add3A_26, %select_n3A_38 : vector<16xi32>
      %broadcast_in_dim3A_40 = arith.constant 11 : i32
      %broadcast_in_dim3A_41 = vector.broadcast %broadcast_in_dim3A_40 : i32 to vector<16xi32>
      %gather3A_42 = tpu.vector_load_idx %arg5[%broadcast_in_dim3A_41] : memref<16xi32, #tpu.memory_space<vmem>>[vector<16xi32>], vector<16xi32>,
      %gt3A_43 = arith.constant 3 : i32
      %gt3A_44 = vector.broadcast %gt3A_43 : i32 to vector<16xi32>
      %gt3A_45 = arith.cmpi sgt, %iota3A, %gt3A_44 : vector<16xi32>
      %add3A_46 = arith.constant 1 : i32
      %add3A_47 = vector.broadcast %add3A_46 : i32 to vector<16xi32>
      %add3A_48 = arith.addi %gather3A_42, %add3A_47 : vector<16xi32>
      %jit3A_49 = arith.constant 0 : i32
      %broadcast_in_dim3A_50 = vector.broadcast %jit3A_49 : i32 to vector<16xi32>
      %select_n3A_51 = arith.select %gt3A_45, %add3A_48, %broadcast_in_dim3A_50 : vector<16xi1>, vector<16xi32>
      %add3A_52 = arith.addi %add3A_39, %select_n3A_51 : vector<16xi32>
      %broadcast_in_dim3A_53 = arith.constant 12 : i32
      %broadcast_in_dim3A_54 = vector.broadcast %broadcast_in_dim3A_53 : i32 to vector<16xi32>
      %gather3A_55 = tpu.vector_load_idx %arg5[%broadcast_in_dim3A_54] : memref<16xi32, #tpu.memory_space<vmem>>[vector<16xi32>], vector<16xi32>,
      %gt3A_56 = arith.constant 4 : i32
      %gt3A_57 = vector.broadcast %gt3A_56 : i32 to vector<16xi32>
      %gt3A_58 = arith.cmpi sgt, %iota3A, %gt3A_57 : vector<16xi32>
      %add3A_59 = arith.constant 1 : i32
      %add3A_60 = vector.broadcast %add3A_59 : i32 to vector<16xi32>
      %add3A_61 = arith.addi %gather3A_55, %add3A_60 : vector<16xi32>
      %jit3A_62 = arith.constant 0 : i32
      %broadcast_in_dim3A_63 = vector.broadcast %jit3A_62 : i32 to vector<16xi32>
      %select_n3A_64 = arith.select %gt3A_58, %add3A_61, %broadcast_in_dim3A_63 : vector<16xi1>, vector<16xi32>
      %add3A_65 = arith.addi %add3A_52, %select_n3A_64 : vector<16xi32>
      %broadcast_in_dim3A_66 = arith.constant 13 : i32
      %broadcast_in_dim3A_67 = vector.broadcast %broadcast_in_dim3A_66 : i32 to vector<16xi32>
      %gather3A_68 = tpu.vector_load_idx %arg5[%broadcast_in_dim3A_67] : memref<16xi32, #tpu.memory_space<vmem>>[vector<16xi32>], vector<16xi32>,
      %gt3A_69 = arith.constant 5 : i32
      %gt3A_70 = vector.broadcast %gt3A_69 : i32 to vector<16xi32>
      %gt3A_71 = arith.cmpi sgt, %iota3A, %gt3A_70 : vector<16xi32>
      %add3A_72 = arith.constant 1 : i32
      %add3A_73 = vector.broadcast %add3A_72 : i32 to vector<16xi32>
      %add3A_74 = arith.addi %gather3A_68, %add3A_73 : vector<16xi32>
      %jit3A_75 = arith.constant 0 : i32
      %broadcast_in_dim3A_76 = vector.broadcast %jit3A_75 : i32 to vector<16xi32>
      %select_n3A_77 = arith.select %gt3A_71, %add3A_74, %broadcast_in_dim3A_76 : vector<16xi1>, vector<16xi32>
      %add3A_78 = arith.addi %add3A_65, %select_n3A_77 : vector<16xi32>
      %broadcast_in_dim3A_79 = arith.constant 14 : i32
      %broadcast_in_dim3A_80 = vector.broadcast %broadcast_in_dim3A_79 : i32 to vector<16xi32>
      %gather3A_81 = tpu.vector_load_idx %arg5[%broadcast_in_dim3A_80] : memref<16xi32, #tpu.memory_space<vmem>>[vector<16xi32>], vector<16xi32>,
      %gt3A_82 = arith.constant 6 : i32
      %gt3A_83 = vector.broadcast %gt3A_82 : i32 to vector<16xi32>
      %gt3A_84 = arith.cmpi sgt, %iota3A, %gt3A_83 : vector<16xi32>
      %add3A_85 = arith.constant 1 : i32
      %add3A_86 = vector.broadcast %add3A_85 : i32 to vector<16xi32>
      %add3A_87 = arith.addi %gather3A_81, %add3A_86 : vector<16xi32>
      %jit3A_88 = arith.constant 0 : i32
      %broadcast_in_dim3A_89 = vector.broadcast %jit3A_88 : i32 to vector<16xi32>
      %select_n3A_90 = arith.select %gt3A_84, %add3A_87, %broadcast_in_dim3A_89 : vector<16xi1>, vector<16xi32>
      %add3A_91 = arith.addi %add3A_78, %select_n3A_90 : vector<16xi32>
      %broadcast_in_dim3A_92 = arith.constant 15 : i32
      %broadcast_in_dim3A_93 = vector.broadcast %broadcast_in_dim3A_92 : i32 to vector<16xi32>
      %gather3A_94 = tpu.vector_load_idx %arg5[%broadcast_in_dim3A_93] : memref<16xi32, #tpu.memory_space<vmem>>[vector<16xi32>], vector<16xi32>,
      %gt3A_95 = arith.constant 7 : i32
      %gt3A_96 = vector.broadcast %gt3A_95 : i32 to vector<16xi32>
      %gt3A_97 = arith.cmpi sgt, %iota3A, %gt3A_96 : vector<16xi32>
      %add3A_98 = arith.constant 1 : i32
      %add3A_99 = vector.broadcast %add3A_98 : i32 to vector<16xi32>
      %add3A_100 = arith.addi %gather3A_94, %add3A_99 : vector<16xi32>
      %jit3A_101 = arith.constant 0 : i32
      %broadcast_in_dim3A_102 = vector.broadcast %jit3A_101 : i32 to vector<16xi32>
      %select_n3A_103 = arith.select %gt3A_97, %add3A_100, %broadcast_in_dim3A_102 : vector<16xi1>, vector<16xi32>
      %add3A_104 = arith.addi %add3A_91, %select_n3A_103 : vector<16xi32>
      %jit3A_105 = arith.constant 0 : i32
      %jit3A_106 = arith.constant 36 : i32
      %max3A = vector.broadcast %jit3A_105 : i32 to vector<16xi32>
      %max3A_107 = arith.maxsi %max3A, %add3A_104 : vector<16xi32>
      %min3A = vector.broadcast %jit3A_106 : i32 to vector<16xi32>
      %min3A_108 = arith.minsi %min3A, %max3A_107 : vector<16xi32>
      %get3A_109 = arith.constant 0 : index
      %get3A_110 = tpu.vector_load %arg6[%get3A_109] {strides = array<i32>} : memref<16xi32, #tpu.memory_space<vmem>>, vector<16xi32>,
      %min3A_111 = arith.minsi %get3A_4, %get3A_110 : vector<16xi32>
      %gt3A_112 = arith.constant 0 : i32
      %gt3A_113 = vector.broadcast %gt3A_112 : i32 to vector<16xi32>
      %gt3A_114 = arith.cmpi sgt, %min3A_111, %gt3A_113 : vector<16xi32>
      %lt3A = arith.constant 8 : i32
      %lt3A_115 = vector.broadcast %lt3A : i32 to vector<16xi32>
      %lt3A_116 = arith.cmpi slt, %iota3A, %lt3A_115 : vector<16xi32>
      %and3A_117 = arith.andi %gt3A_114, %lt3A_116 : vector<16xi1>
      %add3A_118 = arith.constant 0 : i32
      %add3A_119 = vector.broadcast %add3A_118 : i32 to vector<16xi32>
      %add3A_120 = arith.addi %min3A_108, %add3A_119 : vector<16xi32>
      %jit3A_121 = arith.constant 43 : i32
      %broadcast_in_dim3A_122 = vector.broadcast %jit3A_121 : i32 to vector<16xi32>
      %select_n3A_123 = arith.select %and3A_117, %add3A_120, %broadcast_in_dim3A_122 : vector<16xi1>, vector<16xi32>
      %swap3A = arith.constant 0 : i32
      %swap3A_124 = arith.index_cast %swap3A : i32 to index
      %swap3A_125 = arith.constant 0 : index
      %swap3A_126 = tpu.vector_load %arg7[%swap3A_124, %swap3A_125] {strides = array<i32>} : memref<7x16xi32, #tpu.memory_space<vmem>>, vector<16xi32>,
      tpu.vector_store %arg7[%swap3A_124, %swap3A_125], %select_n3A_123 {strides = array<i32>} : memref<7x16xi32, #tpu.memory_space<vmem>>, vector<16xi32>,
      %gt3A_127 = arith.constant 1 : i32
      %gt3A_128 = vector.broadcast %gt3A_127 : i32 to vector<16xi32>
      %gt3A_129 = arith.cmpi sgt, %min3A_111, %gt3A_128 : vector<16xi32>
      %lt3A_130 = arith.constant 8 : i32
      %lt3A_131 = vector.broadcast %lt3A_130 : i32 to vector<16xi32>
      %lt3A_132 = arith.cmpi slt, %iota3A, %lt3A_131 : vector<16xi32>
      %and3A_133 = arith.andi %gt3A_129, %lt3A_132 : vector<16xi1>
      %add3A_134 = arith.constant 1 : i32
      %add3A_135 = vector.broadcast %add3A_134 : i32 to vector<16xi32>
      %add3A_136 = arith.addi %min3A_108, %add3A_135 : vector<16xi32>
      %jit3A_137 = arith.constant 43 : i32
      %broadcast_in_dim3A_138 = vector.broadcast %jit3A_137 : i32 to vector<16xi32>
      %select_n3A_139 = arith.select %and3A_133, %add3A_136, %broadcast_in_dim3A_138 : vector<16xi1>, vector<16xi32>
      %swap3A_140 = arith.constant 1 : i32
      %swap3A_141 = arith.index_cast %swap3A_140 : i32 to index
      %swap3A_142 = arith.constant 0 : index
      %swap3A_143 = tpu.vector_load %arg7[%swap3A_141, %swap3A_142] {strides = array<i32>} : memref<7x16xi32, #tpu.memory_space<vmem>>, vector<16xi32>,
      tpu.vector_store %arg7[%swap3A_141, %swap3A_142], %select_n3A_139 {strides = array<i32>} : memref<7x16xi32, #tpu.memory_space<vmem>>, vector<16xi32>,
      %gt3A_144 = arith.constant 2 : i32
      %gt3A_145 = vector.broadcast %gt3A_144 : i32 to vector<16xi32>
      %gt3A_146 = arith.cmpi sgt, %min3A_111, %gt3A_145 : vector<16xi32>
      %lt3A_147 = arith.constant 8 : i32
      %lt3A_148 = vector.broadcast %lt3A_147 : i32 to vector<16xi32>
      %lt3A_149 = arith.cmpi slt, %iota3A, %lt3A_148 : vector<16xi32>
      %and3A_150 = arith.andi %gt3A_146, %lt3A_149 : vector<16xi1>
      %add3A_151 = arith.constant 2 : i32
      %add3A_152 = vector.broadcast %add3A_151 : i32 to vector<16xi32>
      %add3A_153 = arith.addi %min3A_108, %add3A_152 : vector<16xi32>
      %jit3A_154 = arith.constant 43 : i32
      %broadcast_in_dim3A_155 = vector.broadcast %jit3A_154 : i32 to vector<16xi32>
      %select_n3A_156 = arith.select %and3A_150, %add3A_153, %broadcast_in_dim3A_155 : vector<16xi1>, vector<16xi32>
      %swap3A_157 = arith.constant 2 : i32
      %swap3A_158 = arith.index_cast %swap3A_157 : i32 to index
      %swap3A_159 = arith.constant 0 : index
      %swap3A_160 = tpu.vector_load %arg7[%swap3A_158, %swap3A_159] {strides = array<i32>} : memref<7x16xi32, #tpu.memory_space<vmem>>, vector<16xi32>,
      tpu.vector_store %arg7[%swap3A_158, %swap3A_159], %select_n3A_156 {strides = array<i32>} : memref<7x16xi32, #tpu.memory_space<vmem>>, vector<16xi32>,
      %gt3A_161 = arith.constant 3 : i32
      %gt3A_162 = vector.broadcast %gt3A_161 : i32 to vector<16xi32>
      %gt3A_163 = arith.cmpi sgt, %min3A_111, %gt3A_162 : vector<16xi32>
      %lt3A_164 = arith.constant 8 : i32
      %lt3A_165 = vector.broadcast %lt3A_164 : i32 to vector<16xi32>
      %lt3A_166 = arith.cmpi slt, %iota3A, %lt3A_165 : vector<16xi32>
      %and3A_167 = arith.andi %gt3A_163, %lt3A_166 : vector<16xi1>
      %add3A_168 = arith.constant 3 : i32
      %add3A_169 = vector.broadcast %add3A_168 : i32 to vector<16xi32>
      %add3A_170 = arith.addi %min3A_108, %add3A_169 : vector<16xi32>
      %jit3A_171 = arith.constant 43 : i32
      %broadcast_in_dim3A_172 = vector.broadcast %jit3A_171 : i32 to vector<16xi32>
      %select_n3A_173 = arith.select %and3A_167, %add3A_170, %broadcast_in_dim3A_172 : vector<16xi1>, vector<16xi32>
      %swap3A_174 = arith.constant 3 : i32
      %swap3A_175 = arith.index_cast %swap3A_174 : i32 to index
      %swap3A_176 = arith.constant 0 : index
      %swap3A_177 = tpu.vector_load %arg7[%swap3A_175, %swap3A_176] {strides = array<i32>} : memref<7x16xi32, #tpu.memory_space<vmem>>, vector<16xi32>,
      tpu.vector_store %arg7[%swap3A_175, %swap3A_176], %select_n3A_173 {strides = array<i32>} : memref<7x16xi32, #tpu.memory_space<vmem>>, vector<16xi32>,
      %gt3A_178 = arith.constant 4 : i32
      %gt3A_179 = vector.broadcast %gt3A_178 : i32 to vector<16xi32>
      %gt3A_180 = arith.cmpi sgt, %min3A_111, %gt3A_179 : vector<16xi32>
      %lt3A_181 = arith.constant 8 : i32
      %lt3A_182 = vector.broadcast %lt3A_181 : i32 to vector<16xi32>
      %lt3A_183 = arith.cmpi slt, %iota3A, %lt3A_182 : vector<16xi32>
      %and3A_184 = arith.andi %gt3A_180, %lt3A_183 : vector<16xi1>
      %add3A_185 = arith.constant 4 : i32
      %add3A_186 = vector.broadcast %add3A_185 : i32 to vector<16xi32>
      %add3A_187 = arith.addi %min3A_108, %add3A_186 : vector<16xi32>
      %jit3A_188 = arith.constant 43 : i32
      %broadcast_in_dim3A_189 = vector.broadcast %jit3A_188 : i32 to vector<16xi32>
      %select_n3A_190 = arith.select %and3A_184, %add3A_187, %broadcast_in_dim3A_189 : vector<16xi1>, vector<16xi32>
      %swap3A_191 = arith.constant 4 : i32
      %swap3A_192 = arith.index_cast %swap3A_191 : i32 to index
      %swap3A_193 = arith.constant 0 : index
      %swap3A_194 = tpu.vector_load %arg7[%swap3A_192, %swap3A_193] {strides = array<i32>} : memref<7x16xi32, #tpu.memory_space<vmem>>, vector<16xi32>,
      tpu.vector_store %arg7[%swap3A_192, %swap3A_193], %select_n3A_190 {strides = array<i32>} : memref<7x16xi32, #tpu.memory_space<vmem>>, vector<16xi32>,
      %gt3A_195 = arith.constant 5 : i32
      %gt3A_196 = vector.broadcast %gt3A_195 : i32 to vector<16xi32>
      %gt3A_197 = arith.cmpi sgt, %min3A_111, %gt3A_196 : vector<16xi32>
      %lt3A_198 = arith.constant 8 : i32
      %lt3A_199 = vector.broadcast %lt3A_198 : i32 to vector<16xi32>
      %lt3A_200 = arith.cmpi slt, %iota3A, %lt3A_199 : vector<16xi32>
      %and3A_201 = arith.andi %gt3A_197, %lt3A_200 : vector<16xi1>
      %add3A_202 = arith.constant 5 : i32
      %add3A_203 = vector.broadcast %add3A_202 : i32 to vector<16xi32>
      %add3A_204 = arith.addi %min3A_108, %add3A_203 : vector<16xi32>
      %jit3A_205 = arith.constant 43 : i32
      %broadcast_in_dim3A_206 = vector.broadcast %jit3A_205 : i32 to vector<16xi32>
      %select_n3A_207 = arith.select %and3A_201, %add3A_204, %broadcast_in_dim3A_206 : vector<16xi1>, vector<16xi32>
      %swap3A_208 = arith.constant 5 : i32
      %swap3A_209 = arith.index_cast %swap3A_208 : i32 to index
      %swap3A_210 = arith.constant 0 : index
      %swap3A_211 = tpu.vector_load %arg7[%swap3A_209, %swap3A_210] {strides = array<i32>} : memref<7x16xi32, #tpu.memory_space<vmem>>, vector<16xi32>,
      tpu.vector_store %arg7[%swap3A_209, %swap3A_210], %select_n3A_207 {strides = array<i32>} : memref<7x16xi32, #tpu.memory_space<vmem>>, vector<16xi32>,
      %gt3A_212 = arith.constant 6 : i32
      %gt3A_213 = vector.broadcast %gt3A_212 : i32 to vector<16xi32>
      %gt3A_214 = arith.cmpi sgt, %min3A_111, %gt3A_213 : vector<16xi32>
      %lt3A_215 = arith.constant 8 : i32
      %lt3A_216 = vector.broadcast %lt3A_215 : i32 to vector<16xi32>
      %lt3A_217 = arith.cmpi slt, %iota3A, %lt3A_216 : vector<16xi32>
      %and3A_218 = arith.andi %gt3A_214, %lt3A_217 : vector<16xi1>
      %add3A_219 = arith.constant 6 : i32
      %add3A_220 = vector.broadcast %add3A_219 : i32 to vector<16xi32>
      %add3A_221 = arith.addi %min3A_108, %add3A_220 : vector<16xi32>
      %jit3A_222 = arith.constant 43 : i32
      %broadcast_in_dim3A_223 = vector.broadcast %jit3A_222 : i32 to vector<16xi32>
      %select_n3A_224 = arith.select %and3A_218, %add3A_221, %broadcast_in_dim3A_223 : vector<16xi1>, vector<16xi32>
      %swap3A_225 = arith.constant 6 : i32
      %swap3A_226 = arith.index_cast %swap3A_225 : i32 to index
      %swap3A_227 = arith.constant 0 : index
      %swap3A_228 = tpu.vector_load %arg7[%swap3A_226, %swap3A_227] {strides = array<i32>} : memref<7x16xi32, #tpu.memory_space<vmem>>, vector<16xi32>,
      tpu.vector_store %arg7[%swap3A_226, %swap3A_227], %select_n3A_224 {strides = array<i32>} : memref<7x16xi32, #tpu.memory_space<vmem>>, vector<16xi32>,
      "tpu.region"() ({
        %run_scoped3A = tpu.sem_alloc : memref<!tpu.dma_semaphore, #tpu.memory_space<semaphore_mem>>
        tpu.enqueue_dma source(%arg7 : memref<7x16xi32, #tpu.memory_space<vmem>>) target(%arg4 : memref<7x16xi32, #tpu.memory_space<hbm>>) target_semaphore(%run_scoped3A : memref<!tpu.dma_semaphore, #tpu.memory_space<semaphore_mem>>)
        tpu.wait_dma2 semaphore(%run_scoped3A : memref<!tpu.dma_semaphore, #tpu.memory_space<semaphore_mem>>) src(%arg7 : memref<7x16xi32, #tpu.memory_space<vmem>>) dst(%arg4 : memref<7x16xi32, #tpu.memory_space<hbm>>)
        tpu.yield
      }) : () -> ()
    } else {
    }
    return
  }
}

module attributes {stable_mosaic.version = 14 : i64} {
  func.func @_tc_body(%arg0: i32, %arg1: memref<112xi32, #tpu.memory_space<smem>>, %arg2: memref<1xf32, #tpu.memory_space<smem>>, %arg3: memref<4096x512xf32, #tpu.memory_space<vmem>>, %arg4: memref<8x7x512xf32, #tpu.memory_space<vmem>>, %arg5: memref<44x512xf32, #tpu.memory_space<vmem>>) attributes {dimension_semantics = [#tpu.dimension_semantics<arbitrary>], iteration_bounds = array<i64: 18>, scalar_prefetch = 0 : i64, scratch_operands = 1 : i64, tpu.core_type = #tpu.core_type<tc>, window_params = [{transform_indices = @transform_0, window_bounds = array<i64: 112>}, {transform_indices = @transform_1, window_bounds = array<i64: 1>}, {transform_indices = @transform_2, window_bounds = array<i64: 4096, 512>}, {pipeline_mode = #tpu.pipeline_mode<synchronous>, transform_indices = @transform_3, window_bounds = array<i64: 8, 7, 512>}]} {
    %eq3A = arith.constant 0 : i32
    %eq3A_0 = arith.cmpi eq, %arg0, %eq3A : i32
    %convert_element_type3A = arith.extui %eq3A_0 : i1 to i32
    %cond3A = arith.constant 0 : i32
    %cond3A_1 = arith.cmpi ne, %convert_element_type3A, %cond3A : i32
    scf.if %cond3A_1 {
      %broadcast_in_dim3A = arith.constant 0.000000e+00 : f32
      %broadcast_in_dim3A_26 = vector.broadcast %broadcast_in_dim3A : f32 to vector<8x512xf32>
      %swap3A_27 = arith.constant 36 : index
      %swap3A_28 = arith.constant 0 : index
      %swap3A_29 = vector.load %arg5[%swap3A_27, %swap3A_28] : memref<44x512xf32, #tpu.memory_space<vmem>>, vector<8x512xf32>
      tpu.vector_store %arg5[%swap3A_27, %swap3A_28], %broadcast_in_dim3A_26 {strides = array<i32>} : memref<44x512xf32, #tpu.memory_space<vmem>>, vector<8x512xf32>,
    } else {
    }
    %get3A = arith.constant 0 : index
    %get3A_2 = arith.constant 0 : index
    %get3A_3 = vector.load %arg3[%get3A, %get3A_2] : memref<4096x512xf32, #tpu.memory_space<vmem>>, vector<4096x512xf32>
    %reshape3A = vector.shape_cast %get3A_3 : vector<4096x512xf32> to vector<2x2048x512xf32>
    %reduce_sum3A = arith.constant dense<0.000000e+00> : vector<2x512xf32>
    %reduce_sum3A_4 = vector.multi_reduction <add>, %reshape3A, %reduce_sum3A [1] : vector<2x2048x512xf32> to vector<2x512xf32>
    %get3A_5 = arith.constant 0 : index
    %get3A_6 = memref.load %arg2[%get3A_5] : memref<1xf32, #tpu.memory_space<smem>>
    %mul3A = vector.broadcast %get3A_6 : f32 to vector<2x512xf32>
    %mul3A_7 = arith.mulf %reduce_sum3A_4, %mul3A : vector<2x512xf32>
    %slice3A = vector.extract_strided_slice %mul3A_7 {offsets = [0, 0], sizes = [1, 512], strides = [1, 1]} : vector<2x512xf32> to vector<1x512xf32>
    %mul3A_8 = arith.constant 2 : i32
    %mul3A_9 = arith.muli %arg0, %mul3A_8 : i32
    %add3A = arith.constant 0 : i32
    %add3A_10 = arith.addi %mul3A_9, %add3A : i32
    %swap3A = arith.index_cast %add3A_10 : i32 to index
    %swap3A_11 = arith.constant 0 : index
    %swap3A_12 = vector.load %arg5[%swap3A, %swap3A_11] : memref<44x512xf32, #tpu.memory_space<vmem>>, vector<1x512xf32>
    tpu.vector_store %arg5[%swap3A, %swap3A_11], %slice3A {strides = array<i32>} : memref<44x512xf32, #tpu.memory_space<vmem>>, vector<1x512xf32>,
    %slice3A_13 = vector.extract_strided_slice %mul3A_7 {offsets = [1, 0], sizes = [1, 512], strides = [1, 1]} : vector<2x512xf32> to vector<1x512xf32>
    %mul3A_14 = arith.constant 2 : i32
    %mul3A_15 = arith.muli %arg0, %mul3A_14 : i32
    %add3A_16 = arith.constant 1 : i32
    %add3A_17 = arith.addi %mul3A_15, %add3A_16 : i32
    %swap3A_18 = arith.index_cast %add3A_17 : i32 to index
    %swap3A_19 = arith.constant 0 : index
    %swap3A_20 = vector.load %arg5[%swap3A_18, %swap3A_19] : memref<44x512xf32, #tpu.memory_space<vmem>>, vector<1x512xf32>
    tpu.vector_store %arg5[%swap3A_18, %swap3A_19], %slice3A_13 {strides = array<i32>} : memref<44x512xf32, #tpu.memory_space<vmem>>, vector<1x512xf32>,
    %eq3A_21 = arith.constant 17 : i32
    %eq3A_22 = arith.cmpi eq, %arg0, %eq3A_21 : i32
    %convert_element_type3A_23 = arith.extui %eq3A_22 : i1 to i32
    %cond3A_24 = arith.constant 0 : i32
    %cond3A_25 = arith.cmpi ne, %convert_element_type3A_23, %cond3A_24 : i32
    scf.if %cond3A_25 {
      %get3A_26 = arith.constant 0 : index
      %get3A_27 = memref.load %arg1[%get3A_26] : memref<112xi32, #tpu.memory_space<smem>>
      %get3A_28 = arith.index_cast %get3A_27 : i32 to index
      %get3A_29 = arith.constant 0 : index
      %get3A_30 = vector.load %arg5[%get3A_28, %get3A_29] : memref<44x512xf32, #tpu.memory_space<vmem>>, vector<1x512xf32>
      %reshape3A_31 = vector.shape_cast %get3A_30 : vector<1x512xf32> to vector<1x1x512xf32>
      %swap3A_32 = arith.constant 0 : index
      %swap3A_33 = arith.constant 0 : index
      %swap3A_34 = arith.constant 0 : index
      %swap3A_35 = vector.load %arg4[%swap3A_32, %swap3A_33, %swap3A_34] : memref<8x7x512xf32, #tpu.memory_space<vmem>>, vector<1x1x512xf32>
      tpu.vector_store %arg4[%swap3A_32, %swap3A_33, %swap3A_34], %reshape3A_31 {strides = array<i32>} : memref<8x7x512xf32, #tpu.memory_space<vmem>>, vector<1x1x512xf32>,
      %get3A_36 = arith.constant 16 : index
      %get3A_37 = memref.load %arg1[%get3A_36] : memref<112xi32, #tpu.memory_space<smem>>
      %get3A_38 = arith.index_cast %get3A_37 : i32 to index
      %get3A_39 = arith.constant 0 : index
      %get3A_40 = vector.load %arg5[%get3A_38, %get3A_39] : memref<44x512xf32, #tpu.memory_space<vmem>>, vector<1x512xf32>
      %reshape3A_41 = vector.shape_cast %get3A_40 : vector<1x512xf32> to vector<1x1x512xf32>
      %swap3A_42 = arith.constant 0 : index
      %swap3A_43 = arith.constant 1 : index
      %swap3A_44 = arith.constant 0 : index
      %swap3A_45 = vector.load %arg4[%swap3A_42, %swap3A_43, %swap3A_44] : memref<8x7x512xf32, #tpu.memory_space<vmem>>, vector<1x1x512xf32>
      tpu.vector_store %arg4[%swap3A_42, %swap3A_43, %swap3A_44], %reshape3A_41 {strides = array<i32>} : memref<8x7x512xf32, #tpu.memory_space<vmem>>, vector<1x1x512xf32>,
      %get3A_46 = arith.constant 32 : index
      %get3A_47 = memref.load %arg1[%get3A_46] : memref<112xi32, #tpu.memory_space<smem>>
      %get3A_48 = arith.index_cast %get3A_47 : i32 to index
      %get3A_49 = arith.constant 0 : index
      %get3A_50 = vector.load %arg5[%get3A_48, %get3A_49] : memref<44x512xf32, #tpu.memory_space<vmem>>, vector<1x512xf32>
      %reshape3A_51 = vector.shape_cast %get3A_50 : vector<1x512xf32> to vector<1x1x512xf32>
      %swap3A_52 = arith.constant 0 : index
      %swap3A_53 = arith.constant 2 : index
      %swap3A_54 = arith.constant 0 : index
      %swap3A_55 = vector.load %arg4[%swap3A_52, %swap3A_53, %swap3A_54] : memref<8x7x512xf32, #tpu.memory_space<vmem>>, vector<1x1x512xf32>
      tpu.vector_store %arg4[%swap3A_52, %swap3A_53, %swap3A_54], %reshape3A_51 {strides = array<i32>} : memref<8x7x512xf32, #tpu.memory_space<vmem>>, vector<1x1x512xf32>,
      %get3A_56 = arith.constant 48 : index
      %get3A_57 = memref.load %arg1[%get3A_56] : memref<112xi32, #tpu.memory_space<smem>>
      %get3A_58 = arith.index_cast %get3A_57 : i32 to index
      %get3A_59 = arith.constant 0 : index
      %get3A_60 = vector.load %arg5[%get3A_58, %get3A_59] : memref<44x512xf32, #tpu.memory_space<vmem>>, vector<1x512xf32>
      %reshape3A_61 = vector.shape_cast %get3A_60 : vector<1x512xf32> to vector<1x1x512xf32>
      %swap3A_62 = arith.constant 0 : index
      %swap3A_63 = arith.constant 3 : index
      %swap3A_64 = arith.constant 0 : index
      %swap3A_65 = vector.load %arg4[%swap3A_62, %swap3A_63, %swap3A_64] : memref<8x7x512xf32, #tpu.memory_space<vmem>>, vector<1x1x512xf32>
      tpu.vector_store %arg4[%swap3A_62, %swap3A_63, %swap3A_64], %reshape3A_61 {strides = array<i32>} : memref<8x7x512xf32, #tpu.memory_space<vmem>>, vector<1x1x512xf32>,
      %get3A_66 = arith.constant 64 : index
      %get3A_67 = memref.load %arg1[%get3A_66] : memref<112xi32, #tpu.memory_space<smem>>
      %get3A_68 = arith.index_cast %get3A_67 : i32 to index
      %get3A_69 = arith.constant 0 : index
      %get3A_70 = vector.load %arg5[%get3A_68, %get3A_69] : memref<44x512xf32, #tpu.memory_space<vmem>>, vector<1x512xf32>
      %reshape3A_71 = vector.shape_cast %get3A_70 : vector<1x512xf32> to vector<1x1x512xf32>
      %swap3A_72 = arith.constant 0 : index
      %swap3A_73 = arith.constant 4 : index
      %swap3A_74 = arith.constant 0 : index
      %swap3A_75 = vector.load %arg4[%swap3A_72, %swap3A_73, %swap3A_74] : memref<8x7x512xf32, #tpu.memory_space<vmem>>, vector<1x1x512xf32>
      tpu.vector_store %arg4[%swap3A_72, %swap3A_73, %swap3A_74], %reshape3A_71 {strides = array<i32>} : memref<8x7x512xf32, #tpu.memory_space<vmem>>, vector<1x1x512xf32>,
      %get3A_76 = arith.constant 80 : index
      %get3A_77 = memref.load %arg1[%get3A_76] : memref<112xi32, #tpu.memory_space<smem>>
      %get3A_78 = arith.index_cast %get3A_77 : i32 to index
      %get3A_79 = arith.constant 0 : index
      %get3A_80 = vector.load %arg5[%get3A_78, %get3A_79] : memref<44x512xf32, #tpu.memory_space<vmem>>, vector<1x512xf32>
      %reshape3A_81 = vector.shape_cast %get3A_80 : vector<1x512xf32> to vector<1x1x512xf32>
      %swap3A_82 = arith.constant 0 : index
      %swap3A_83 = arith.constant 5 : index
      %swap3A_84 = arith.constant 0 : index
      %swap3A_85 = vector.load %arg4[%swap3A_82, %swap3A_83, %swap3A_84] : memref<8x7x512xf32, #tpu.memory_space<vmem>>, vector<1x1x512xf32>
      tpu.vector_store %arg4[%swap3A_82, %swap3A_83, %swap3A_84], %reshape3A_81 {strides = array<i32>} : memref<8x7x512xf32, #tpu.memory_space<vmem>>, vector<1x1x512xf32>,
      %get3A_86 = arith.constant 96 : index
      %get3A_87 = memref.load %arg1[%get3A_86] : memref<112xi32, #tpu.memory_space<smem>>
      %get3A_88 = arith.index_cast %get3A_87 : i32 to index
      %get3A_89 = arith.constant 0 : index
      %get3A_90 = vector.load %arg5[%get3A_88, %get3A_89] : memref<44x512xf32, #tpu.memory_space<vmem>>, vector<1x512xf32>
      %reshape3A_91 = vector.shape_cast %get3A_90 : vector<1x512xf32> to vector<1x1x512xf32>
      %swap3A_92 = arith.constant 0 : index
      %swap3A_93 = arith.constant 6 : index
      %swap3A_94 = arith.constant 0 : index
      %swap3A_95 = vector.load %arg4[%swap3A_92, %swap3A_93, %swap3A_94] : memref<8x7x512xf32, #tpu.memory_space<vmem>>, vector<1x1x512xf32>
      tpu.vector_store %arg4[%swap3A_92, %swap3A_93, %swap3A_94], %reshape3A_91 {strides = array<i32>} : memref<8x7x512xf32, #tpu.memory_space<vmem>>, vector<1x1x512xf32>,
      %get3A_96 = arith.constant 1 : index
      %get3A_97 = memref.load %arg1[%get3A_96] : memref<112xi32, #tpu.memory_space<smem>>
      %get3A_98 = arith.index_cast %get3A_97 : i32 to index
      %get3A_99 = arith.constant 0 : index
      %get3A_100 = vector.load %arg5[%get3A_98, %get3A_99] : memref<44x512xf32, #tpu.memory_space<vmem>>, vector<1x512xf32>
      %reshape3A_101 = vector.shape_cast %get3A_100 : vector<1x512xf32> to vector<1x1x512xf32>
      %swap3A_102 = arith.constant 1 : index
      %swap3A_103 = arith.constant 0 : index
      %swap3A_104 = arith.constant 0 : index
      %swap3A_105 = vector.load %arg4[%swap3A_102, %swap3A_103, %swap3A_104] : memref<8x7x512xf32, #tpu.memory_space<vmem>>, vector<1x1x512xf32>
      tpu.vector_store %arg4[%swap3A_102, %swap3A_103, %swap3A_104], %reshape3A_101 {strides = array<i32>} : memref<8x7x512xf32, #tpu.memory_space<vmem>>, vector<1x1x512xf32>,
      %get3A_106 = arith.constant 17 : index
      %get3A_107 = memref.load %arg1[%get3A_106] : memref<112xi32, #tpu.memory_space<smem>>
      %get3A_108 = arith.index_cast %get3A_107 : i32 to index
      %get3A_109 = arith.constant 0 : index
      %get3A_110 = vector.load %arg5[%get3A_108, %get3A_109] : memref<44x512xf32, #tpu.memory_space<vmem>>, vector<1x512xf32>
      %reshape3A_111 = vector.shape_cast %get3A_110 : vector<1x512xf32> to vector<1x1x512xf32>
      %swap3A_112 = arith.constant 1 : index
      %swap3A_113 = arith.constant 1 : index
      %swap3A_114 = arith.constant 0 : index
      %swap3A_115 = vector.load %arg4[%swap3A_112, %swap3A_113, %swap3A_114] : memref<8x7x512xf32, #tpu.memory_space<vmem>>, vector<1x1x512xf32>
      tpu.vector_store %arg4[%swap3A_112, %swap3A_113, %swap3A_114], %reshape3A_111 {strides = array<i32>} : memref<8x7x512xf32, #tpu.memory_space<vmem>>, vector<1x1x512xf32>,
      %get3A_116 = arith.constant 33 : index
      %get3A_117 = memref.load %arg1[%get3A_116] : memref<112xi32, #tpu.memory_space<smem>>
      %get3A_118 = arith.index_cast %get3A_117 : i32 to index
      %get3A_119 = arith.constant 0 : index
      %get3A_120 = vector.load %arg5[%get3A_118, %get3A_119] : memref<44x512xf32, #tpu.memory_space<vmem>>, vector<1x512xf32>
      %reshape3A_121 = vector.shape_cast %get3A_120 : vector<1x512xf32> to vector<1x1x512xf32>
      %swap3A_122 = arith.constant 1 : index
      %swap3A_123 = arith.constant 2 : index
      %swap3A_124 = arith.constant 0 : index
      %swap3A_125 = vector.load %arg4[%swap3A_122, %swap3A_123, %swap3A_124] : memref<8x7x512xf32, #tpu.memory_space<vmem>>, vector<1x1x512xf32>
      tpu.vector_store %arg4[%swap3A_122, %swap3A_123, %swap3A_124], %reshape3A_121 {strides = array<i32>} : memref<8x7x512xf32, #tpu.memory_space<vmem>>, vector<1x1x512xf32>,
      %get3A_126 = arith.constant 49 : index
      %get3A_127 = memref.load %arg1[%get3A_126] : memref<112xi32, #tpu.memory_space<smem>>
      %get3A_128 = arith.index_cast %get3A_127 : i32 to index
      %get3A_129 = arith.constant 0 : index
      %get3A_130 = vector.load %arg5[%get3A_128, %get3A_129] : memref<44x512xf32, #tpu.memory_space<vmem>>, vector<1x512xf32>
      %reshape3A_131 = vector.shape_cast %get3A_130 : vector<1x512xf32> to vector<1x1x512xf32>
      %swap3A_132 = arith.constant 1 : index
      %swap3A_133 = arith.constant 3 : index
      %swap3A_134 = arith.constant 0 : index
      %swap3A_135 = vector.load %arg4[%swap3A_132, %swap3A_133, %swap3A_134] : memref<8x7x512xf32, #tpu.memory_space<vmem>>, vector<1x1x512xf32>
      tpu.vector_store %arg4[%swap3A_132, %swap3A_133, %swap3A_134], %reshape3A_131 {strides = array<i32>} : memref<8x7x512xf32, #tpu.memory_space<vmem>>, vector<1x1x512xf32>,
      %get3A_136 = arith.constant 65 : index
      %get3A_137 = memref.load %arg1[%get3A_136] : memref<112xi32, #tpu.memory_space<smem>>
      %get3A_138 = arith.index_cast %get3A_137 : i32 to index
      %get3A_139 = arith.constant 0 : index
      %get3A_140 = vector.load %arg5[%get3A_138, %get3A_139] : memref<44x512xf32, #tpu.memory_space<vmem>>, vector<1x512xf32>
      %reshape3A_141 = vector.shape_cast %get3A_140 : vector<1x512xf32> to vector<1x1x512xf32>
      %swap3A_142 = arith.constant 1 : index
      %swap3A_143 = arith.constant 4 : index
      %swap3A_144 = arith.constant 0 : index
      %swap3A_145 = vector.load %arg4[%swap3A_142, %swap3A_143, %swap3A_144] : memref<8x7x512xf32, #tpu.memory_space<vmem>>, vector<1x1x512xf32>
      tpu.vector_store %arg4[%swap3A_142, %swap3A_143, %swap3A_144], %reshape3A_141 {strides = array<i32>} : memref<8x7x512xf32, #tpu.memory_space<vmem>>, vector<1x1x512xf32>,
      %get3A_146 = arith.constant 81 : index
      %get3A_147 = memref.load %arg1[%get3A_146] : memref<112xi32, #tpu.memory_space<smem>>
      %get3A_148 = arith.index_cast %get3A_147 : i32 to index
      %get3A_149 = arith.constant 0 : index
      %get3A_150 = vector.load %arg5[%get3A_148, %get3A_149] : memref<44x512xf32, #tpu.memory_space<vmem>>, vector<1x512xf32>
      %reshape3A_151 = vector.shape_cast %get3A_150 : vector<1x512xf32> to vector<1x1x512xf32>
      %swap3A_152 = arith.constant 1 : index
      %swap3A_153 = arith.constant 5 : index
      %swap3A_154 = arith.constant 0 : index
      %swap3A_155 = vector.load %arg4[%swap3A_152, %swap3A_153, %swap3A_154] : memref<8x7x512xf32, #tpu.memory_space<vmem>>, vector<1x1x512xf32>
      tpu.vector_store %arg4[%swap3A_152, %swap3A_153, %swap3A_154], %reshape3A_151 {strides = array<i32>} : memref<8x7x512xf32, #tpu.memory_space<vmem>>, vector<1x1x512xf32>,
      %get3A_156 = arith.constant 97 : index
      %get3A_157 = memref.load %arg1[%get3A_156] : memref<112xi32, #tpu.memory_space<smem>>
      %get3A_158 = arith.index_cast %get3A_157 : i32 to index
      %get3A_159 = arith.constant 0 : index
      %get3A_160 = vector.load %arg5[%get3A_158, %get3A_159] : memref<44x512xf32, #tpu.memory_space<vmem>>, vector<1x512xf32>
      %reshape3A_161 = vector.shape_cast %get3A_160 : vector<1x512xf32> to vector<1x1x512xf32>
      %swap3A_162 = arith.constant 1 : index
      %swap3A_163 = arith.constant 6 : index
      %swap3A_164 = arith.constant 0 : index
      %swap3A_165 = vector.load %arg4[%swap3A_162, %swap3A_163, %swap3A_164] : memref<8x7x512xf32, #tpu.memory_space<vmem>>, vector<1x1x512xf32>
      tpu.vector_store %arg4[%swap3A_162, %swap3A_163, %swap3A_164], %reshape3A_161 {strides = array<i32>} : memref<8x7x512xf32, #tpu.memory_space<vmem>>, vector<1x1x512xf32>,
      %get3A_166 = arith.constant 2 : index
      %get3A_167 = memref.load %arg1[%get3A_166] : memref<112xi32, #tpu.memory_space<smem>>
      %get3A_168 = arith.index_cast %get3A_167 : i32 to index
      %get3A_169 = arith.constant 0 : index
      %get3A_170 = vector.load %arg5[%get3A_168, %get3A_169] : memref<44x512xf32, #tpu.memory_space<vmem>>, vector<1x512xf32>
      %reshape3A_171 = vector.shape_cast %get3A_170 : vector<1x512xf32> to vector<1x1x512xf32>
      %swap3A_172 = arith.constant 2 : index
      %swap3A_173 = arith.constant 0 : index
      %swap3A_174 = arith.constant 0 : index
      %swap3A_175 = vector.load %arg4[%swap3A_172, %swap3A_173, %swap3A_174] : memref<8x7x512xf32, #tpu.memory_space<vmem>>, vector<1x1x512xf32>
      tpu.vector_store %arg4[%swap3A_172, %swap3A_173, %swap3A_174], %reshape3A_171 {strides = array<i32>} : memref<8x7x512xf32, #tpu.memory_space<vmem>>, vector<1x1x512xf32>,
      %get3A_176 = arith.constant 18 : index
      %get3A_177 = memref.load %arg1[%get3A_176] : memref<112xi32, #tpu.memory_space<smem>>
      %get3A_178 = arith.index_cast %get3A_177 : i32 to index
      %get3A_179 = arith.constant 0 : index
      %get3A_180 = vector.load %arg5[%get3A_178, %get3A_179] : memref<44x512xf32, #tpu.memory_space<vmem>>, vector<1x512xf32>
      %reshape3A_181 = vector.shape_cast %get3A_180 : vector<1x512xf32> to vector<1x1x512xf32>
      %swap3A_182 = arith.constant 2 : index
      %swap3A_183 = arith.constant 1 : index
      %swap3A_184 = arith.constant 0 : index
      %swap3A_185 = vector.load %arg4[%swap3A_182, %swap3A_183, %swap3A_184] : memref<8x7x512xf32, #tpu.memory_space<vmem>>, vector<1x1x512xf32>
      tpu.vector_store %arg4[%swap3A_182, %swap3A_183, %swap3A_184], %reshape3A_181 {strides = array<i32>} : memref<8x7x512xf32, #tpu.memory_space<vmem>>, vector<1x1x512xf32>,
      %get3A_186 = arith.constant 34 : index
      %get3A_187 = memref.load %arg1[%get3A_186] : memref<112xi32, #tpu.memory_space<smem>>
      %get3A_188 = arith.index_cast %get3A_187 : i32 to index
      %get3A_189 = arith.constant 0 : index
      %get3A_190 = vector.load %arg5[%get3A_188, %get3A_189] : memref<44x512xf32, #tpu.memory_space<vmem>>, vector<1x512xf32>
      %reshape3A_191 = vector.shape_cast %get3A_190 : vector<1x512xf32> to vector<1x1x512xf32>
      %swap3A_192 = arith.constant 2 : index
      %swap3A_193 = arith.constant 2 : index
      %swap3A_194 = arith.constant 0 : index
      %swap3A_195 = vector.load %arg4[%swap3A_192, %swap3A_193, %swap3A_194] : memref<8x7x512xf32, #tpu.memory_space<vmem>>, vector<1x1x512xf32>
      tpu.vector_store %arg4[%swap3A_192, %swap3A_193, %swap3A_194], %reshape3A_191 {strides = array<i32>} : memref<8x7x512xf32, #tpu.memory_space<vmem>>, vector<1x1x512xf32>,
      %get3A_196 = arith.constant 50 : index
      %get3A_197 = memref.load %arg1[%get3A_196] : memref<112xi32, #tpu.memory_space<smem>>
      %get3A_198 = arith.index_cast %get3A_197 : i32 to index
      %get3A_199 = arith.constant 0 : index
      %get3A_200 = vector.load %arg5[%get3A_198, %get3A_199] : memref<44x512xf32, #tpu.memory_space<vmem>>, vector<1x512xf32>
      %reshape3A_201 = vector.shape_cast %get3A_200 : vector<1x512xf32> to vector<1x1x512xf32>
      %swap3A_202 = arith.constant 2 : index
      %swap3A_203 = arith.constant 3 : index
      %swap3A_204 = arith.constant 0 : index
      %swap3A_205 = vector.load %arg4[%swap3A_202, %swap3A_203, %swap3A_204] : memref<8x7x512xf32, #tpu.memory_space<vmem>>, vector<1x1x512xf32>
      tpu.vector_store %arg4[%swap3A_202, %swap3A_203, %swap3A_204], %reshape3A_201 {strides = array<i32>} : memref<8x7x512xf32, #tpu.memory_space<vmem>>, vector<1x1x512xf32>,
      %get3A_206 = arith.constant 66 : index
      %get3A_207 = memref.load %arg1[%get3A_206] : memref<112xi32, #tpu.memory_space<smem>>
      %get3A_208 = arith.index_cast %get3A_207 : i32 to index
      %get3A_209 = arith.constant 0 : index
      %get3A_210 = vector.load %arg5[%get3A_208, %get3A_209] : memref<44x512xf32, #tpu.memory_space<vmem>>, vector<1x512xf32>
      %reshape3A_211 = vector.shape_cast %get3A_210 : vector<1x512xf32> to vector<1x1x512xf32>
      %swap3A_212 = arith.constant 2 : index
      %swap3A_213 = arith.constant 4 : index
      %swap3A_214 = arith.constant 0 : index
      %swap3A_215 = vector.load %arg4[%swap3A_212, %swap3A_213, %swap3A_214] : memref<8x7x512xf32, #tpu.memory_space<vmem>>, vector<1x1x512xf32>
      tpu.vector_store %arg4[%swap3A_212, %swap3A_213, %swap3A_214], %reshape3A_211 {strides = array<i32>} : memref<8x7x512xf32, #tpu.memory_space<vmem>>, vector<1x1x512xf32>,
      %get3A_216 = arith.constant 82 : index
      %get3A_217 = memref.load %arg1[%get3A_216] : memref<112xi32, #tpu.memory_space<smem>>
      %get3A_218 = arith.index_cast %get3A_217 : i32 to index
      %get3A_219 = arith.constant 0 : index
      %get3A_220 = vector.load %arg5[%get3A_218, %get3A_219] : memref<44x512xf32, #tpu.memory_space<vmem>>, vector<1x512xf32>
      %reshape3A_221 = vector.shape_cast %get3A_220 : vector<1x512xf32> to vector<1x1x512xf32>
      %swap3A_222 = arith.constant 2 : index
      %swap3A_223 = arith.constant 5 : index
      %swap3A_224 = arith.constant 0 : index
      %swap3A_225 = vector.load %arg4[%swap3A_222, %swap3A_223, %swap3A_224] : memref<8x7x512xf32, #tpu.memory_space<vmem>>, vector<1x1x512xf32>
      tpu.vector_store %arg4[%swap3A_222, %swap3A_223, %swap3A_224], %reshape3A_221 {strides = array<i32>} : memref<8x7x512xf32, #tpu.memory_space<vmem>>, vector<1x1x512xf32>,
      %get3A_226 = arith.constant 98 : index
      %get3A_227 = memref.load %arg1[%get3A_226] : memref<112xi32, #tpu.memory_space<smem>>
      %get3A_228 = arith.index_cast %get3A_227 : i32 to index
      %get3A_229 = arith.constant 0 : index
      %get3A_230 = vector.load %arg5[%get3A_228, %get3A_229] : memref<44x512xf32, #tpu.memory_space<vmem>>, vector<1x512xf32>
      %reshape3A_231 = vector.shape_cast %get3A_230 : vector<1x512xf32> to vector<1x1x512xf32>
      %swap3A_232 = arith.constant 2 : index
      %swap3A_233 = arith.constant 6 : index
      %swap3A_234 = arith.constant 0 : index
      %swap3A_235 = vector.load %arg4[%swap3A_232, %swap3A_233, %swap3A_234] : memref<8x7x512xf32, #tpu.memory_space<vmem>>, vector<1x1x512xf32>
      tpu.vector_store %arg4[%swap3A_232, %swap3A_233, %swap3A_234], %reshape3A_231 {strides = array<i32>} : memref<8x7x512xf32, #tpu.memory_space<vmem>>, vector<1x1x512xf32>,
      %get3A_236 = arith.constant 3 : index
      %get3A_237 = memref.load %arg1[%get3A_236] : memref<112xi32, #tpu.memory_space<smem>>
      %get3A_238 = arith.index_cast %get3A_237 : i32 to index
      %get3A_239 = arith.constant 0 : index
      %get3A_240 = vector.load %arg5[%get3A_238, %get3A_239] : memref<44x512xf32, #tpu.memory_space<vmem>>, vector<1x512xf32>
      %reshape3A_241 = vector.shape_cast %get3A_240 : vector<1x512xf32> to vector<1x1x512xf32>
      %swap3A_242 = arith.constant 3 : index
      %swap3A_243 = arith.constant 0 : index
      %swap3A_244 = arith.constant 0 : index
      %swap3A_245 = vector.load %arg4[%swap3A_242, %swap3A_243, %swap3A_244] : memref<8x7x512xf32, #tpu.memory_space<vmem>>, vector<1x1x512xf32>
      tpu.vector_store %arg4[%swap3A_242, %swap3A_243, %swap3A_244], %reshape3A_241 {strides = array<i32>} : memref<8x7x512xf32, #tpu.memory_space<vmem>>, vector<1x1x512xf32>,
      %get3A_246 = arith.constant 19 : index
      %get3A_247 = memref.load %arg1[%get3A_246] : memref<112xi32, #tpu.memory_space<smem>>
      %get3A_248 = arith.index_cast %get3A_247 : i32 to index
      %get3A_249 = arith.constant 0 : index
      %get3A_250 = vector.load %arg5[%get3A_248, %get3A_249] : memref<44x512xf32, #tpu.memory_space<vmem>>, vector<1x512xf32>
      %reshape3A_251 = vector.shape_cast %get3A_250 : vector<1x512xf32> to vector<1x1x512xf32>
      %swap3A_252 = arith.constant 3 : index
      %swap3A_253 = arith.constant 1 : index
      %swap3A_254 = arith.constant 0 : index
      %swap3A_255 = vector.load %arg4[%swap3A_252, %swap3A_253, %swap3A_254] : memref<8x7x512xf32, #tpu.memory_space<vmem>>, vector<1x1x512xf32>
      tpu.vector_store %arg4[%swap3A_252, %swap3A_253, %swap3A_254], %reshape3A_251 {strides = array<i32>} : memref<8x7x512xf32, #tpu.memory_space<vmem>>, vector<1x1x512xf32>,
      %get3A_256 = arith.constant 35 : index
      %get3A_257 = memref.load %arg1[%get3A_256] : memref<112xi32, #tpu.memory_space<smem>>
      %get3A_258 = arith.index_cast %get3A_257 : i32 to index
      %get3A_259 = arith.constant 0 : index
      %get3A_260 = vector.load %arg5[%get3A_258, %get3A_259] : memref<44x512xf32, #tpu.memory_space<vmem>>, vector<1x512xf32>
      %reshape3A_261 = vector.shape_cast %get3A_260 : vector<1x512xf32> to vector<1x1x512xf32>
      %swap3A_262 = arith.constant 3 : index
      %swap3A_263 = arith.constant 2 : index
      %swap3A_264 = arith.constant 0 : index
      %swap3A_265 = vector.load %arg4[%swap3A_262, %swap3A_263, %swap3A_264] : memref<8x7x512xf32, #tpu.memory_space<vmem>>, vector<1x1x512xf32>
      tpu.vector_store %arg4[%swap3A_262, %swap3A_263, %swap3A_264], %reshape3A_261 {strides = array<i32>} : memref<8x7x512xf32, #tpu.memory_space<vmem>>, vector<1x1x512xf32>,
      %get3A_266 = arith.constant 51 : index
      %get3A_267 = memref.load %arg1[%get3A_266] : memref<112xi32, #tpu.memory_space<smem>>
      %get3A_268 = arith.index_cast %get3A_267 : i32 to index
      %get3A_269 = arith.constant 0 : index
      %get3A_270 = vector.load %arg5[%get3A_268, %get3A_269] : memref<44x512xf32, #tpu.memory_space<vmem>>, vector<1x512xf32>
      %reshape3A_271 = vector.shape_cast %get3A_270 : vector<1x512xf32> to vector<1x1x512xf32>
      %swap3A_272 = arith.constant 3 : index
      %swap3A_273 = arith.constant 3 : index
      %swap3A_274 = arith.constant 0 : index
      %swap3A_275 = vector.load %arg4[%swap3A_272, %swap3A_273, %swap3A_274] : memref<8x7x512xf32, #tpu.memory_space<vmem>>, vector<1x1x512xf32>
      tpu.vector_store %arg4[%swap3A_272, %swap3A_273, %swap3A_274], %reshape3A_271 {strides = array<i32>} : memref<8x7x512xf32, #tpu.memory_space<vmem>>, vector<1x1x512xf32>,
      %get3A_276 = arith.constant 67 : index
      %get3A_277 = memref.load %arg1[%get3A_276] : memref<112xi32, #tpu.memory_space<smem>>
      %get3A_278 = arith.index_cast %get3A_277 : i32 to index
      %get3A_279 = arith.constant 0 : index
      %get3A_280 = vector.load %arg5[%get3A_278, %get3A_279] : memref<44x512xf32, #tpu.memory_space<vmem>>, vector<1x512xf32>
      %reshape3A_281 = vector.shape_cast %get3A_280 : vector<1x512xf32> to vector<1x1x512xf32>
      %swap3A_282 = arith.constant 3 : index
      %swap3A_283 = arith.constant 4 : index
      %swap3A_284 = arith.constant 0 : index
      %swap3A_285 = vector.load %arg4[%swap3A_282, %swap3A_283, %swap3A_284] : memref<8x7x512xf32, #tpu.memory_space<vmem>>, vector<1x1x512xf32>
      tpu.vector_store %arg4[%swap3A_282, %swap3A_283, %swap3A_284], %reshape3A_281 {strides = array<i32>} : memref<8x7x512xf32, #tpu.memory_space<vmem>>, vector<1x1x512xf32>,
      %get3A_286 = arith.constant 83 : index
      %get3A_287 = memref.load %arg1[%get3A_286] : memref<112xi32, #tpu.memory_space<smem>>
      %get3A_288 = arith.index_cast %get3A_287 : i32 to index
      %get3A_289 = arith.constant 0 : index
      %get3A_290 = vector.load %arg5[%get3A_288, %get3A_289] : memref<44x512xf32, #tpu.memory_space<vmem>>, vector<1x512xf32>
      %reshape3A_291 = vector.shape_cast %get3A_290 : vector<1x512xf32> to vector<1x1x512xf32>
      %swap3A_292 = arith.constant 3 : index
      %swap3A_293 = arith.constant 5 : index
      %swap3A_294 = arith.constant 0 : index
      %swap3A_295 = vector.load %arg4[%swap3A_292, %swap3A_293, %swap3A_294] : memref<8x7x512xf32, #tpu.memory_space<vmem>>, vector<1x1x512xf32>
      tpu.vector_store %arg4[%swap3A_292, %swap3A_293, %swap3A_294], %reshape3A_291 {strides = array<i32>} : memref<8x7x512xf32, #tpu.memory_space<vmem>>, vector<1x1x512xf32>,
      %get3A_296 = arith.constant 99 : index
      %get3A_297 = memref.load %arg1[%get3A_296] : memref<112xi32, #tpu.memory_space<smem>>
      %get3A_298 = arith.index_cast %get3A_297 : i32 to index
      %get3A_299 = arith.constant 0 : index
      %get3A_300 = vector.load %arg5[%get3A_298, %get3A_299] : memref<44x512xf32, #tpu.memory_space<vmem>>, vector<1x512xf32>
      %reshape3A_301 = vector.shape_cast %get3A_300 : vector<1x512xf32> to vector<1x1x512xf32>
      %swap3A_302 = arith.constant 3 : index
      %swap3A_303 = arith.constant 6 : index
      %swap3A_304 = arith.constant 0 : index
      %swap3A_305 = vector.load %arg4[%swap3A_302, %swap3A_303, %swap3A_304] : memref<8x7x512xf32, #tpu.memory_space<vmem>>, vector<1x1x512xf32>
      tpu.vector_store %arg4[%swap3A_302, %swap3A_303, %swap3A_304], %reshape3A_301 {strides = array<i32>} : memref<8x7x512xf32, #tpu.memory_space<vmem>>, vector<1x1x512xf32>,
      %get3A_306 = arith.constant 4 : index
      %get3A_307 = memref.load %arg1[%get3A_306] : memref<112xi32, #tpu.memory_space<smem>>
      %get3A_308 = arith.index_cast %get3A_307 : i32 to index
      %get3A_309 = arith.constant 0 : index
      %get3A_310 = vector.load %arg5[%get3A_308, %get3A_309] : memref<44x512xf32, #tpu.memory_space<vmem>>, vector<1x512xf32>
      %reshape3A_311 = vector.shape_cast %get3A_310 : vector<1x512xf32> to vector<1x1x512xf32>
      %swap3A_312 = arith.constant 4 : index
      %swap3A_313 = arith.constant 0 : index
      %swap3A_314 = arith.constant 0 : index
      %swap3A_315 = vector.load %arg4[%swap3A_312, %swap3A_313, %swap3A_314] : memref<8x7x512xf32, #tpu.memory_space<vmem>>, vector<1x1x512xf32>
      tpu.vector_store %arg4[%swap3A_312, %swap3A_313, %swap3A_314], %reshape3A_311 {strides = array<i32>} : memref<8x7x512xf32, #tpu.memory_space<vmem>>, vector<1x1x512xf32>,
      %get3A_316 = arith.constant 20 : index
      %get3A_317 = memref.load %arg1[%get3A_316] : memref<112xi32, #tpu.memory_space<smem>>
      %get3A_318 = arith.index_cast %get3A_317 : i32 to index
      %get3A_319 = arith.constant 0 : index
      %get3A_320 = vector.load %arg5[%get3A_318, %get3A_319] : memref<44x512xf32, #tpu.memory_space<vmem>>, vector<1x512xf32>
      %reshape3A_321 = vector.shape_cast %get3A_320 : vector<1x512xf32> to vector<1x1x512xf32>
      %swap3A_322 = arith.constant 4 : index
      %swap3A_323 = arith.constant 1 : index
      %swap3A_324 = arith.constant 0 : index
      %swap3A_325 = vector.load %arg4[%swap3A_322, %swap3A_323, %swap3A_324] : memref<8x7x512xf32, #tpu.memory_space<vmem>>, vector<1x1x512xf32>
      tpu.vector_store %arg4[%swap3A_322, %swap3A_323, %swap3A_324], %reshape3A_321 {strides = array<i32>} : memref<8x7x512xf32, #tpu.memory_space<vmem>>, vector<1x1x512xf32>,
      %get3A_326 = arith.constant 36 : index
      %get3A_327 = memref.load %arg1[%get3A_326] : memref<112xi32, #tpu.memory_space<smem>>
      %get3A_328 = arith.index_cast %get3A_327 : i32 to index
      %get3A_329 = arith.constant 0 : index
      %get3A_330 = vector.load %arg5[%get3A_328, %get3A_329] : memref<44x512xf32, #tpu.memory_space<vmem>>, vector<1x512xf32>
      %reshape3A_331 = vector.shape_cast %get3A_330 : vector<1x512xf32> to vector<1x1x512xf32>
      %swap3A_332 = arith.constant 4 : index
      %swap3A_333 = arith.constant 2 : index
      %swap3A_334 = arith.constant 0 : index
      %swap3A_335 = vector.load %arg4[%swap3A_332, %swap3A_333, %swap3A_334] : memref<8x7x512xf32, #tpu.memory_space<vmem>>, vector<1x1x512xf32>
      tpu.vector_store %arg4[%swap3A_332, %swap3A_333, %swap3A_334], %reshape3A_331 {strides = array<i32>} : memref<8x7x512xf32, #tpu.memory_space<vmem>>, vector<1x1x512xf32>,
      %get3A_336 = arith.constant 52 : index
      %get3A_337 = memref.load %arg1[%get3A_336] : memref<112xi32, #tpu.memory_space<smem>>
      %get3A_338 = arith.index_cast %get3A_337 : i32 to index
      %get3A_339 = arith.constant 0 : index
      %get3A_340 = vector.load %arg5[%get3A_338, %get3A_339] : memref<44x512xf32, #tpu.memory_space<vmem>>, vector<1x512xf32>
      %reshape3A_341 = vector.shape_cast %get3A_340 : vector<1x512xf32> to vector<1x1x512xf32>
      %swap3A_342 = arith.constant 4 : index
      %swap3A_343 = arith.constant 3 : index
      %swap3A_344 = arith.constant 0 : index
      %swap3A_345 = vector.load %arg4[%swap3A_342, %swap3A_343, %swap3A_344] : memref<8x7x512xf32, #tpu.memory_space<vmem>>, vector<1x1x512xf32>
      tpu.vector_store %arg4[%swap3A_342, %swap3A_343, %swap3A_344], %reshape3A_341 {strides = array<i32>} : memref<8x7x512xf32, #tpu.memory_space<vmem>>, vector<1x1x512xf32>,
      %get3A_346 = arith.constant 68 : index
      %get3A_347 = memref.load %arg1[%get3A_346] : memref<112xi32, #tpu.memory_space<smem>>
      %get3A_348 = arith.index_cast %get3A_347 : i32 to index
      %get3A_349 = arith.constant 0 : index
      %get3A_350 = vector.load %arg5[%get3A_348, %get3A_349] : memref<44x512xf32, #tpu.memory_space<vmem>>, vector<1x512xf32>
      %reshape3A_351 = vector.shape_cast %get3A_350 : vector<1x512xf32> to vector<1x1x512xf32>
      %swap3A_352 = arith.constant 4 : index
      %swap3A_353 = arith.constant 4 : index
      %swap3A_354 = arith.constant 0 : index
      %swap3A_355 = vector.load %arg4[%swap3A_352, %swap3A_353, %swap3A_354] : memref<8x7x512xf32, #tpu.memory_space<vmem>>, vector<1x1x512xf32>
      tpu.vector_store %arg4[%swap3A_352, %swap3A_353, %swap3A_354], %reshape3A_351 {strides = array<i32>} : memref<8x7x512xf32, #tpu.memory_space<vmem>>, vector<1x1x512xf32>,
      %get3A_356 = arith.constant 84 : index
      %get3A_357 = memref.load %arg1[%get3A_356] : memref<112xi32, #tpu.memory_space<smem>>
      %get3A_358 = arith.index_cast %get3A_357 : i32 to index
      %get3A_359 = arith.constant 0 : index
      %get3A_360 = vector.load %arg5[%get3A_358, %get3A_359] : memref<44x512xf32, #tpu.memory_space<vmem>>, vector<1x512xf32>
      %reshape3A_361 = vector.shape_cast %get3A_360 : vector<1x512xf32> to vector<1x1x512xf32>
      %swap3A_362 = arith.constant 4 : index
      %swap3A_363 = arith.constant 5 : index
      %swap3A_364 = arith.constant 0 : index
      %swap3A_365 = vector.load %arg4[%swap3A_362, %swap3A_363, %swap3A_364] : memref<8x7x512xf32, #tpu.memory_space<vmem>>, vector<1x1x512xf32>
      tpu.vector_store %arg4[%swap3A_362, %swap3A_363, %swap3A_364], %reshape3A_361 {strides = array<i32>} : memref<8x7x512xf32, #tpu.memory_space<vmem>>, vector<1x1x512xf32>,
      %get3A_366 = arith.constant 100 : index
      %get3A_367 = memref.load %arg1[%get3A_366] : memref<112xi32, #tpu.memory_space<smem>>
      %get3A_368 = arith.index_cast %get3A_367 : i32 to index
      %get3A_369 = arith.constant 0 : index
      %get3A_370 = vector.load %arg5[%get3A_368, %get3A_369] : memref<44x512xf32, #tpu.memory_space<vmem>>, vector<1x512xf32>
      %reshape3A_371 = vector.shape_cast %get3A_370 : vector<1x512xf32> to vector<1x1x512xf32>
      %swap3A_372 = arith.constant 4 : index
      %swap3A_373 = arith.constant 6 : index
      %swap3A_374 = arith.constant 0 : index
      %swap3A_375 = vector.load %arg4[%swap3A_372, %swap3A_373, %swap3A_374] : memref<8x7x512xf32, #tpu.memory_space<vmem>>, vector<1x1x512xf32>
      tpu.vector_store %arg4[%swap3A_372, %swap3A_373, %swap3A_374], %reshape3A_371 {strides = array<i32>} : memref<8x7x512xf32, #tpu.memory_space<vmem>>, vector<1x1x512xf32>,
      %get3A_376 = arith.constant 5 : index
      %get3A_377 = memref.load %arg1[%get3A_376] : memref<112xi32, #tpu.memory_space<smem>>
      %get3A_378 = arith.index_cast %get3A_377 : i32 to index
      %get3A_379 = arith.constant 0 : index
      %get3A_380 = vector.load %arg5[%get3A_378, %get3A_379] : memref<44x512xf32, #tpu.memory_space<vmem>>, vector<1x512xf32>
      %reshape3A_381 = vector.shape_cast %get3A_380 : vector<1x512xf32> to vector<1x1x512xf32>
      %swap3A_382 = arith.constant 5 : index
      %swap3A_383 = arith.constant 0 : index
      %swap3A_384 = arith.constant 0 : index
      %swap3A_385 = vector.load %arg4[%swap3A_382, %swap3A_383, %swap3A_384] : memref<8x7x512xf32, #tpu.memory_space<vmem>>, vector<1x1x512xf32>
      tpu.vector_store %arg4[%swap3A_382, %swap3A_383, %swap3A_384], %reshape3A_381 {strides = array<i32>} : memref<8x7x512xf32, #tpu.memory_space<vmem>>, vector<1x1x512xf32>,
      %get3A_386 = arith.constant 21 : index
      %get3A_387 = memref.load %arg1[%get3A_386] : memref<112xi32, #tpu.memory_space<smem>>
      %get3A_388 = arith.index_cast %get3A_387 : i32 to index
      %get3A_389 = arith.constant 0 : index
      %get3A_390 = vector.load %arg5[%get3A_388, %get3A_389] : memref<44x512xf32, #tpu.memory_space<vmem>>, vector<1x512xf32>
      %reshape3A_391 = vector.shape_cast %get3A_390 : vector<1x512xf32> to vector<1x1x512xf32>
      %swap3A_392 = arith.constant 5 : index
      %swap3A_393 = arith.constant 1 : index
      %swap3A_394 = arith.constant 0 : index
      %swap3A_395 = vector.load %arg4[%swap3A_392, %swap3A_393, %swap3A_394] : memref<8x7x512xf32, #tpu.memory_space<vmem>>, vector<1x1x512xf32>
      tpu.vector_store %arg4[%swap3A_392, %swap3A_393, %swap3A_394], %reshape3A_391 {strides = array<i32>} : memref<8x7x512xf32, #tpu.memory_space<vmem>>, vector<1x1x512xf32>,
      %get3A_396 = arith.constant 37 : index
      %get3A_397 = memref.load %arg1[%get3A_396] : memref<112xi32, #tpu.memory_space<smem>>
      %get3A_398 = arith.index_cast %get3A_397 : i32 to index
      %get3A_399 = arith.constant 0 : index
      %get3A_400 = vector.load %arg5[%get3A_398, %get3A_399] : memref<44x512xf32, #tpu.memory_space<vmem>>, vector<1x512xf32>
      %reshape3A_401 = vector.shape_cast %get3A_400 : vector<1x512xf32> to vector<1x1x512xf32>
      %swap3A_402 = arith.constant 5 : index
      %swap3A_403 = arith.constant 2 : index
      %swap3A_404 = arith.constant 0 : index
      %swap3A_405 = vector.load %arg4[%swap3A_402, %swap3A_403, %swap3A_404] : memref<8x7x512xf32, #tpu.memory_space<vmem>>, vector<1x1x512xf32>
      tpu.vector_store %arg4[%swap3A_402, %swap3A_403, %swap3A_404], %reshape3A_401 {strides = array<i32>} : memref<8x7x512xf32, #tpu.memory_space<vmem>>, vector<1x1x512xf32>,
      %get3A_406 = arith.constant 53 : index
      %get3A_407 = memref.load %arg1[%get3A_406] : memref<112xi32, #tpu.memory_space<smem>>
      %get3A_408 = arith.index_cast %get3A_407 : i32 to index
      %get3A_409 = arith.constant 0 : index
      %get3A_410 = vector.load %arg5[%get3A_408, %get3A_409] : memref<44x512xf32, #tpu.memory_space<vmem>>, vector<1x512xf32>
      %reshape3A_411 = vector.shape_cast %get3A_410 : vector<1x512xf32> to vector<1x1x512xf32>
      %swap3A_412 = arith.constant 5 : index
      %swap3A_413 = arith.constant 3 : index
      %swap3A_414 = arith.constant 0 : index
      %swap3A_415 = vector.load %arg4[%swap3A_412, %swap3A_413, %swap3A_414] : memref<8x7x512xf32, #tpu.memory_space<vmem>>, vector<1x1x512xf32>
      tpu.vector_store %arg4[%swap3A_412, %swap3A_413, %swap3A_414], %reshape3A_411 {strides = array<i32>} : memref<8x7x512xf32, #tpu.memory_space<vmem>>, vector<1x1x512xf32>,
      %get3A_416 = arith.constant 69 : index
      %get3A_417 = memref.load %arg1[%get3A_416] : memref<112xi32, #tpu.memory_space<smem>>
      %get3A_418 = arith.index_cast %get3A_417 : i32 to index
      %get3A_419 = arith.constant 0 : index
      %get3A_420 = vector.load %arg5[%get3A_418, %get3A_419] : memref<44x512xf32, #tpu.memory_space<vmem>>, vector<1x512xf32>
      %reshape3A_421 = vector.shape_cast %get3A_420 : vector<1x512xf32> to vector<1x1x512xf32>
      %swap3A_422 = arith.constant 5 : index
      %swap3A_423 = arith.constant 4 : index
      %swap3A_424 = arith.constant 0 : index
      %swap3A_425 = vector.load %arg4[%swap3A_422, %swap3A_423, %swap3A_424] : memref<8x7x512xf32, #tpu.memory_space<vmem>>, vector<1x1x512xf32>
      tpu.vector_store %arg4[%swap3A_422, %swap3A_423, %swap3A_424], %reshape3A_421 {strides = array<i32>} : memref<8x7x512xf32, #tpu.memory_space<vmem>>, vector<1x1x512xf32>,
      %get3A_426 = arith.constant 85 : index
      %get3A_427 = memref.load %arg1[%get3A_426] : memref<112xi32, #tpu.memory_space<smem>>
      %get3A_428 = arith.index_cast %get3A_427 : i32 to index
      %get3A_429 = arith.constant 0 : index
      %get3A_430 = vector.load %arg5[%get3A_428, %get3A_429] : memref<44x512xf32, #tpu.memory_space<vmem>>, vector<1x512xf32>
      %reshape3A_431 = vector.shape_cast %get3A_430 : vector<1x512xf32> to vector<1x1x512xf32>
      %swap3A_432 = arith.constant 5 : index
      %swap3A_433 = arith.constant 5 : index
      %swap3A_434 = arith.constant 0 : index
      %swap3A_435 = vector.load %arg4[%swap3A_432, %swap3A_433, %swap3A_434] : memref<8x7x512xf32, #tpu.memory_space<vmem>>, vector<1x1x512xf32>
      tpu.vector_store %arg4[%swap3A_432, %swap3A_433, %swap3A_434], %reshape3A_431 {strides = array<i32>} : memref<8x7x512xf32, #tpu.memory_space<vmem>>, vector<1x1x512xf32>,
      %get3A_436 = arith.constant 101 : index
      %get3A_437 = memref.load %arg1[%get3A_436] : memref<112xi32, #tpu.memory_space<smem>>
      %get3A_438 = arith.index_cast %get3A_437 : i32 to index
      %get3A_439 = arith.constant 0 : index
      %get3A_440 = vector.load %arg5[%get3A_438, %get3A_439] : memref<44x512xf32, #tpu.memory_space<vmem>>, vector<1x512xf32>
      %reshape3A_441 = vector.shape_cast %get3A_440 : vector<1x512xf32> to vector<1x1x512xf32>
      %swap3A_442 = arith.constant 5 : index
      %swap3A_443 = arith.constant 6 : index
      %swap3A_444 = arith.constant 0 : index
      %swap3A_445 = vector.load %arg4[%swap3A_442, %swap3A_443, %swap3A_444] : memref<8x7x512xf32, #tpu.memory_space<vmem>>, vector<1x1x512xf32>
      tpu.vector_store %arg4[%swap3A_442, %swap3A_443, %swap3A_444], %reshape3A_441 {strides = array<i32>} : memref<8x7x512xf32, #tpu.memory_space<vmem>>, vector<1x1x512xf32>,
      %get3A_446 = arith.constant 6 : index
      %get3A_447 = memref.load %arg1[%get3A_446] : memref<112xi32, #tpu.memory_space<smem>>
      %get3A_448 = arith.index_cast %get3A_447 : i32 to index
      %get3A_449 = arith.constant 0 : index
      %get3A_450 = vector.load %arg5[%get3A_448, %get3A_449] : memref<44x512xf32, #tpu.memory_space<vmem>>, vector<1x512xf32>
      %reshape3A_451 = vector.shape_cast %get3A_450 : vector<1x512xf32> to vector<1x1x512xf32>
      %swap3A_452 = arith.constant 6 : index
      %swap3A_453 = arith.constant 0 : index
      %swap3A_454 = arith.constant 0 : index
      %swap3A_455 = vector.load %arg4[%swap3A_452, %swap3A_453, %swap3A_454] : memref<8x7x512xf32, #tpu.memory_space<vmem>>, vector<1x1x512xf32>
      tpu.vector_store %arg4[%swap3A_452, %swap3A_453, %swap3A_454], %reshape3A_451 {strides = array<i32>} : memref<8x7x512xf32, #tpu.memory_space<vmem>>, vector<1x1x512xf32>,
      %get3A_456 = arith.constant 22 : index
      %get3A_457 = memref.load %arg1[%get3A_456] : memref<112xi32, #tpu.memory_space<smem>>
      %get3A_458 = arith.index_cast %get3A_457 : i32 to index
      %get3A_459 = arith.constant 0 : index
      %get3A_460 = vector.load %arg5[%get3A_458, %get3A_459] : memref<44x512xf32, #tpu.memory_space<vmem>>, vector<1x512xf32>
      %reshape3A_461 = vector.shape_cast %get3A_460 : vector<1x512xf32> to vector<1x1x512xf32>
      %swap3A_462 = arith.constant 6 : index
      %swap3A_463 = arith.constant 1 : index
      %swap3A_464 = arith.constant 0 : index
      %swap3A_465 = vector.load %arg4[%swap3A_462, %swap3A_463, %swap3A_464] : memref<8x7x512xf32, #tpu.memory_space<vmem>>, vector<1x1x512xf32>
      tpu.vector_store %arg4[%swap3A_462, %swap3A_463, %swap3A_464], %reshape3A_461 {strides = array<i32>} : memref<8x7x512xf32, #tpu.memory_space<vmem>>, vector<1x1x512xf32>,
      %get3A_466 = arith.constant 38 : index
      %get3A_467 = memref.load %arg1[%get3A_466] : memref<112xi32, #tpu.memory_space<smem>>
      %get3A_468 = arith.index_cast %get3A_467 : i32 to index
      %get3A_469 = arith.constant 0 : index
      %get3A_470 = vector.load %arg5[%get3A_468, %get3A_469] : memref<44x512xf32, #tpu.memory_space<vmem>>, vector<1x512xf32>
      %reshape3A_471 = vector.shape_cast %get3A_470 : vector<1x512xf32> to vector<1x1x512xf32>
      %swap3A_472 = arith.constant 6 : index
      %swap3A_473 = arith.constant 2 : index
      %swap3A_474 = arith.constant 0 : index
      %swap3A_475 = vector.load %arg4[%swap3A_472, %swap3A_473, %swap3A_474] : memref<8x7x512xf32, #tpu.memory_space<vmem>>, vector<1x1x512xf32>
      tpu.vector_store %arg4[%swap3A_472, %swap3A_473, %swap3A_474], %reshape3A_471 {strides = array<i32>} : memref<8x7x512xf32, #tpu.memory_space<vmem>>, vector<1x1x512xf32>,
      %get3A_476 = arith.constant 54 : index
      %get3A_477 = memref.load %arg1[%get3A_476] : memref<112xi32, #tpu.memory_space<smem>>
      %get3A_478 = arith.index_cast %get3A_477 : i32 to index
      %get3A_479 = arith.constant 0 : index
      %get3A_480 = vector.load %arg5[%get3A_478, %get3A_479] : memref<44x512xf32, #tpu.memory_space<vmem>>, vector<1x512xf32>
      %reshape3A_481 = vector.shape_cast %get3A_480 : vector<1x512xf32> to vector<1x1x512xf32>
      %swap3A_482 = arith.constant 6 : index
      %swap3A_483 = arith.constant 3 : index
      %swap3A_484 = arith.constant 0 : index
      %swap3A_485 = vector.load %arg4[%swap3A_482, %swap3A_483, %swap3A_484] : memref<8x7x512xf32, #tpu.memory_space<vmem>>, vector<1x1x512xf32>
      tpu.vector_store %arg4[%swap3A_482, %swap3A_483, %swap3A_484], %reshape3A_481 {strides = array<i32>} : memref<8x7x512xf32, #tpu.memory_space<vmem>>, vector<1x1x512xf32>,
      %get3A_486 = arith.constant 70 : index
      %get3A_487 = memref.load %arg1[%get3A_486] : memref<112xi32, #tpu.memory_space<smem>>
      %get3A_488 = arith.index_cast %get3A_487 : i32 to index
      %get3A_489 = arith.constant 0 : index
      %get3A_490 = vector.load %arg5[%get3A_488, %get3A_489] : memref<44x512xf32, #tpu.memory_space<vmem>>, vector<1x512xf32>
      %reshape3A_491 = vector.shape_cast %get3A_490 : vector<1x512xf32> to vector<1x1x512xf32>
      %swap3A_492 = arith.constant 6 : index
      %swap3A_493 = arith.constant 4 : index
      %swap3A_494 = arith.constant 0 : index
      %swap3A_495 = vector.load %arg4[%swap3A_492, %swap3A_493, %swap3A_494] : memref<8x7x512xf32, #tpu.memory_space<vmem>>, vector<1x1x512xf32>
      tpu.vector_store %arg4[%swap3A_492, %swap3A_493, %swap3A_494], %reshape3A_491 {strides = array<i32>} : memref<8x7x512xf32, #tpu.memory_space<vmem>>, vector<1x1x512xf32>,
      %get3A_496 = arith.constant 86 : index
      %get3A_497 = memref.load %arg1[%get3A_496] : memref<112xi32, #tpu.memory_space<smem>>
      %get3A_498 = arith.index_cast %get3A_497 : i32 to index
      %get3A_499 = arith.constant 0 : index
      %get3A_500 = vector.load %arg5[%get3A_498, %get3A_499] : memref<44x512xf32, #tpu.memory_space<vmem>>, vector<1x512xf32>
      %reshape3A_501 = vector.shape_cast %get3A_500 : vector<1x512xf32> to vector<1x1x512xf32>
      %swap3A_502 = arith.constant 6 : index
      %swap3A_503 = arith.constant 5 : index
      %swap3A_504 = arith.constant 0 : index
      %swap3A_505 = vector.load %arg4[%swap3A_502, %swap3A_503, %swap3A_504] : memref<8x7x512xf32, #tpu.memory_space<vmem>>, vector<1x1x512xf32>
      tpu.vector_store %arg4[%swap3A_502, %swap3A_503, %swap3A_504], %reshape3A_501 {strides = array<i32>} : memref<8x7x512xf32, #tpu.memory_space<vmem>>, vector<1x1x512xf32>,
      %get3A_506 = arith.constant 102 : index
      %get3A_507 = memref.load %arg1[%get3A_506] : memref<112xi32, #tpu.memory_space<smem>>
      %get3A_508 = arith.index_cast %get3A_507 : i32 to index
      %get3A_509 = arith.constant 0 : index
      %get3A_510 = vector.load %arg5[%get3A_508, %get3A_509] : memref<44x512xf32, #tpu.memory_space<vmem>>, vector<1x512xf32>
      %reshape3A_511 = vector.shape_cast %get3A_510 : vector<1x512xf32> to vector<1x1x512xf32>
      %swap3A_512 = arith.constant 6 : index
      %swap3A_513 = arith.constant 6 : index
      %swap3A_514 = arith.constant 0 : index
      %swap3A_515 = vector.load %arg4[%swap3A_512, %swap3A_513, %swap3A_514] : memref<8x7x512xf32, #tpu.memory_space<vmem>>, vector<1x1x512xf32>
      tpu.vector_store %arg4[%swap3A_512, %swap3A_513, %swap3A_514], %reshape3A_511 {strides = array<i32>} : memref<8x7x512xf32, #tpu.memory_space<vmem>>, vector<1x1x512xf32>,
      %get3A_516 = arith.constant 7 : index
      %get3A_517 = memref.load %arg1[%get3A_516] : memref<112xi32, #tpu.memory_space<smem>>
      %get3A_518 = arith.index_cast %get3A_517 : i32 to index
      %get3A_519 = arith.constant 0 : index
      %get3A_520 = vector.load %arg5[%get3A_518, %get3A_519] : memref<44x512xf32, #tpu.memory_space<vmem>>, vector<1x512xf32>
      %reshape3A_521 = vector.shape_cast %get3A_520 : vector<1x512xf32> to vector<1x1x512xf32>
      %swap3A_522 = arith.constant 7 : index
      %swap3A_523 = arith.constant 0 : index
      %swap3A_524 = arith.constant 0 : index
      %swap3A_525 = vector.load %arg4[%swap3A_522, %swap3A_523, %swap3A_524] : memref<8x7x512xf32, #tpu.memory_space<vmem>>, vector<1x1x512xf32>
      tpu.vector_store %arg4[%swap3A_522, %swap3A_523, %swap3A_524], %reshape3A_521 {strides = array<i32>} : memref<8x7x512xf32, #tpu.memory_space<vmem>>, vector<1x1x512xf32>,
      %get3A_526 = arith.constant 23 : index
      %get3A_527 = memref.load %arg1[%get3A_526] : memref<112xi32, #tpu.memory_space<smem>>
      %get3A_528 = arith.index_cast %get3A_527 : i32 to index
      %get3A_529 = arith.constant 0 : index
      %get3A_530 = vector.load %arg5[%get3A_528, %get3A_529] : memref<44x512xf32, #tpu.memory_space<vmem>>, vector<1x512xf32>
      %reshape3A_531 = vector.shape_cast %get3A_530 : vector<1x512xf32> to vector<1x1x512xf32>
      %swap3A_532 = arith.constant 7 : index
      %swap3A_533 = arith.constant 1 : index
      %swap3A_534 = arith.constant 0 : index
      %swap3A_535 = vector.load %arg4[%swap3A_532, %swap3A_533, %swap3A_534] : memref<8x7x512xf32, #tpu.memory_space<vmem>>, vector<1x1x512xf32>
      tpu.vector_store %arg4[%swap3A_532, %swap3A_533, %swap3A_534], %reshape3A_531 {strides = array<i32>} : memref<8x7x512xf32, #tpu.memory_space<vmem>>, vector<1x1x512xf32>,
      %get3A_536 = arith.constant 39 : index
      %get3A_537 = memref.load %arg1[%get3A_536] : memref<112xi32, #tpu.memory_space<smem>>
      %get3A_538 = arith.index_cast %get3A_537 : i32 to index
      %get3A_539 = arith.constant 0 : index
      %get3A_540 = vector.load %arg5[%get3A_538, %get3A_539] : memref<44x512xf32, #tpu.memory_space<vmem>>, vector<1x512xf32>
      %reshape3A_541 = vector.shape_cast %get3A_540 : vector<1x512xf32> to vector<1x1x512xf32>
      %swap3A_542 = arith.constant 7 : index
      %swap3A_543 = arith.constant 2 : index
      %swap3A_544 = arith.constant 0 : index
      %swap3A_545 = vector.load %arg4[%swap3A_542, %swap3A_543, %swap3A_544] : memref<8x7x512xf32, #tpu.memory_space<vmem>>, vector<1x1x512xf32>
      tpu.vector_store %arg4[%swap3A_542, %swap3A_543, %swap3A_544], %reshape3A_541 {strides = array<i32>} : memref<8x7x512xf32, #tpu.memory_space<vmem>>, vector<1x1x512xf32>,
      %get3A_546 = arith.constant 55 : index
      %get3A_547 = memref.load %arg1[%get3A_546] : memref<112xi32, #tpu.memory_space<smem>>
      %get3A_548 = arith.index_cast %get3A_547 : i32 to index
      %get3A_549 = arith.constant 0 : index
      %get3A_550 = vector.load %arg5[%get3A_548, %get3A_549] : memref<44x512xf32, #tpu.memory_space<vmem>>, vector<1x512xf32>
      %reshape3A_551 = vector.shape_cast %get3A_550 : vector<1x512xf32> to vector<1x1x512xf32>
      %swap3A_552 = arith.constant 7 : index
      %swap3A_553 = arith.constant 3 : index
      %swap3A_554 = arith.constant 0 : index
      %swap3A_555 = vector.load %arg4[%swap3A_552, %swap3A_553, %swap3A_554] : memref<8x7x512xf32, #tpu.memory_space<vmem>>, vector<1x1x512xf32>
      tpu.vector_store %arg4[%swap3A_552, %swap3A_553, %swap3A_554], %reshape3A_551 {strides = array<i32>} : memref<8x7x512xf32, #tpu.memory_space<vmem>>, vector<1x1x512xf32>,
      %get3A_556 = arith.constant 71 : index
      %get3A_557 = memref.load %arg1[%get3A_556] : memref<112xi32, #tpu.memory_space<smem>>
      %get3A_558 = arith.index_cast %get3A_557 : i32 to index
      %get3A_559 = arith.constant 0 : index
      %get3A_560 = vector.load %arg5[%get3A_558, %get3A_559] : memref<44x512xf32, #tpu.memory_space<vmem>>, vector<1x512xf32>
      %reshape3A_561 = vector.shape_cast %get3A_560 : vector<1x512xf32> to vector<1x1x512xf32>
      %swap3A_562 = arith.constant 7 : index
      %swap3A_563 = arith.constant 4 : index
      %swap3A_564 = arith.constant 0 : index
      %swap3A_565 = vector.load %arg4[%swap3A_562, %swap3A_563, %swap3A_564] : memref<8x7x512xf32, #tpu.memory_space<vmem>>, vector<1x1x512xf32>
      tpu.vector_store %arg4[%swap3A_562, %swap3A_563, %swap3A_564], %reshape3A_561 {strides = array<i32>} : memref<8x7x512xf32, #tpu.memory_space<vmem>>, vector<1x1x512xf32>,
      %get3A_566 = arith.constant 87 : index
      %get3A_567 = memref.load %arg1[%get3A_566] : memref<112xi32, #tpu.memory_space<smem>>
      %get3A_568 = arith.index_cast %get3A_567 : i32 to index
      %get3A_569 = arith.constant 0 : index
      %get3A_570 = vector.load %arg5[%get3A_568, %get3A_569] : memref<44x512xf32, #tpu.memory_space<vmem>>, vector<1x512xf32>
      %reshape3A_571 = vector.shape_cast %get3A_570 : vector<1x512xf32> to vector<1x1x512xf32>
      %swap3A_572 = arith.constant 7 : index
      %swap3A_573 = arith.constant 5 : index
      %swap3A_574 = arith.constant 0 : index
      %swap3A_575 = vector.load %arg4[%swap3A_572, %swap3A_573, %swap3A_574] : memref<8x7x512xf32, #tpu.memory_space<vmem>>, vector<1x1x512xf32>
      tpu.vector_store %arg4[%swap3A_572, %swap3A_573, %swap3A_574], %reshape3A_571 {strides = array<i32>} : memref<8x7x512xf32, #tpu.memory_space<vmem>>, vector<1x1x512xf32>,
      %get3A_576 = arith.constant 103 : index
      %get3A_577 = memref.load %arg1[%get3A_576] : memref<112xi32, #tpu.memory_space<smem>>
      %get3A_578 = arith.index_cast %get3A_577 : i32 to index
      %get3A_579 = arith.constant 0 : index
      %get3A_580 = vector.load %arg5[%get3A_578, %get3A_579] : memref<44x512xf32, #tpu.memory_space<vmem>>, vector<1x512xf32>
      %reshape3A_581 = vector.shape_cast %get3A_580 : vector<1x512xf32> to vector<1x1x512xf32>
      %swap3A_582 = arith.constant 7 : index
      %swap3A_583 = arith.constant 6 : index
      %swap3A_584 = arith.constant 0 : index
      %swap3A_585 = vector.load %arg4[%swap3A_582, %swap3A_583, %swap3A_584] : memref<8x7x512xf32, #tpu.memory_space<vmem>>, vector<1x1x512xf32>
      tpu.vector_store %arg4[%swap3A_582, %swap3A_583, %swap3A_584], %reshape3A_581 {strides = array<i32>} : memref<8x7x512xf32, #tpu.memory_space<vmem>>, vector<1x1x512xf32>,
    } else {
    }
    return
  }
  func.func @transform_0(%arg0: i32) -> i32 {
    %c0_i32 = arith.constant 0 : i32
    %c0_i32_0 = arith.constant 0 : i32
    return %c0_i32 : i32
  }
  func.func @transform_1(%arg0: i32) -> i32 {
    %c0_i32 = arith.constant 0 : i32
    %c0_i32_0 = arith.constant 0 : i32
    return %c0_i32 : i32
  }
  func.func @transform_2(%arg0: i32) -> (i32, i32) {
    %c0_i32 = arith.constant 0 : i32
    %c0_i32_0 = arith.constant 0 : i32
    return %arg0, %c0_i32 : i32, i32
  }
  func.func @transform_3(%arg0: i32) -> (i32, i32, i32) {
    %c0_i32 = arith.constant 0 : i32
    %c0_i32_0 = arith.constant 0 : i32
    %c0_i32_1 = arith.constant 0 : i32
    %c0_i32_2 = arith.constant 0 : i32
    return %c0_i32, %c0_i32_0, %c0_i32_1 : i32, i32, i32
  }
}

</mosaic_0001>

<sc_bundles>
// kernel: kernel.4.cloned.1.call-start
scs
__scs_entry_jumppad:
0x0: {  	(pc) =	sbr.rel $0x88, $3  }
0x1: {  	(tag) =	ssettag $0x0;
	lr =	simm.s32 $0x1  }
0x2: {  	[smem:$0x3F9D] =	sst lr;
	_ =	strace $0xD0000000  }
0x3: {  	_ = 	snop  }
0x4: {  	_ = 	snop  }
0x5: {  	_ = 	snop  }
0x6: {  	_ = 	snop  }
0x7: {  	_ = 	snop  }
__scs_overlays_trampoline_lowered:
0x8: {  	[smem:$0x3FAC] =	sst s0  }
0x9: {  	[smem:$0x3FAD] =	sst s1  }
0xa: {  	[smem:$0x3FAE] =	sst s2  }
0xb: {  	[smem:$0x3FAF] =	sst s3  }
0xc: {  	[smem:$0x3FB0] =	sst s4  }
0xd: {  	[smem:$0x3FB1] =	sst s5  }
0xe: {  	[smem:$0x3FB2] =	sst s6  }
0xf: {  	[smem:$0x3FB3] =	sst s7  }
0x10: {  	[smem:$0x3FB4] =	sst s8  }
0x11: {  	[smem:$0x3FB5] =	sst s9;
	s0 =	simm.s32 @!p0 $0x0  }
0x12: {  	s1 =	sld [smem:$0x3F9B];
	s0 =	simm.s32 @p0 $0x1  }
0x13: {  	[smem:$0x3FB6] =	sst s0;
	s0 =	simm.s32 @!p1 $0x0  }
0x14: {  	s2 =	sld [smem:$0x3F9A];
	s0 =	simm.s32 @p1 $0x1  }
0x15: {  	[smem:$0x3FB7] =	sst s0;
	s0 =	simm.s32 @!p2 $0x0  }
0x16: {  	s3 =	sld [smem:$0x3FDB];
	s0 =	simm.s32 @p2 $0x1  }
0x17: {  	s4 =	simm.s32 $0x1BF5;
	[smem:$0x3FB9] =	sst s0  }
0x18: {  	s0 =	sld [smem:$0x3F9C];
	_ =	swait.ge [sflag:s4], $0x0  }
0x19: {  	s7 =	sld [smem:$0x3F9D]  }
0x1a: {  	s8 =	sadd.s32 $0xFFFFE003, lr  }
0x1b: {  	s9 =	sadd.s32 $0xFFFFFEF7, lr;
	s5 =	simm.s32 $0xFFFFFFFF;
	p2 =	slt.u32 s8, $0xFFFFF086  }
0x1c: {  	p1 =	slt.u32 s9, $0xF7A;
	s5 =	simm.s32 @!p2 $0x0  }
0x1d: {  	s5 =	simm.s32 @p1 $0x1;
	p0 =	seq.s32 s7, s2  }
0x1e: {  	s7 =	smul.u32 @!p0 $0xF7A, s2;
	p2 =	seq.s32 @!p0 s5, $0x0  }
0x1f: {  	s9 =	smul.u32 $0xF7A, s1;
	s8 =	simm.s32 @!p0 $0x1BF5;
	p2 =	por !p2, p0  }
0x20: {  	[sflag:s8] =	ssyncset.s32 @!p0 $0xFFFFF086;
	s6 =	sadd.s32 @!p0 s3, s7;
	s7 =	simm.s32 @!p0 $0x108  }
0x21: {  	s3 =	sadd.s32 s3, s9;
	s6 =	sadd.s32 @!p0 $0x88, s6;
	s7 =	simm.s32 @p2 $0x1082  }
0x22: {  	[simem:s7], [sflag:s8] =	dma.local @!p0 [hbm:s6], $0xF7A  }
0x23: {  	s9 =	sor.u32 $0xD0000000, s2;
	s6 =	simm.s32 $0x108;
	_ =	swait.ge @!p0 [sflag:s8], $0x0  }
0x24: {  	s3 =	sadd.s32 $0x88, s3;
	s6 =	simm.s32 @!p1 $0x1082;
	[sflag:s4] =	ssyncset.s32 $0xFFFFF086  }
0x25: {  	[simem:s6], [sflag:s4] =	dma.local [hbm:s3], $0xF7A  }
0x26: {  	[smem:$0x3F9D] =	sst s1;
	(tag) =	ssettag s2;
	_ =	strace s9  }
0x27: {  	s1 =	sld [smem:$0x3FAD]  }
0x28: {  	s2 =	sld [smem:$0x3FAE]  }
0x29: {  	s4 =	sld [smem:$0x3FB0]  }
0x2a: {  	p0 =	seq.s32 s5, $0x0;
	s5 =	sld [smem:$0x3FB1]  }
0x2b: {  	s6 =	sld [smem:$0x3FB2]  }
0x2c: {  	s7 =	sld [smem:$0x3FB3]  }
0x2d: {  	s3 =	simm.s32 $0x108;
	s8 =	sld [smem:$0x3FB4]  }
0x2e: {  	s3 =	simm.s32 @!p0 $0x1082;
	s9 =	sld [smem:$0x3FB5]  }
0x2f: {  	lr =	sadd.s32 s0, s3;
	s0 =	sld [smem:$0x3FAC]  }
0x30: {  	s3 =	sld [smem:$0x3FAF]  }
0x31: {  	[smem:$0x3FB8] =	sst s10  }
0x32: {  	s10 =	sld [smem:$0x3FB6];
	_ =	sdelay $0x3  }
0x33: {  	p0 =	seq.s32 s10, $0x1;
	s10 =	sld [smem:$0x3FB8];
	_ =	sdelay $0x3  }
0x34: {  	[smem:$0x3FB8] =	sst s10  }
0x35: {  	s10 =	sld [smem:$0x3FB7];
	_ =	sdelay $0x3  }
0x36: {  	p1 =	seq.s32 s10, $0x1;
	s10 =	sld [smem:$0x3FB8];
	_ =	sdelay $0x3  }
0x37: {  	[smem:$0x3FB8] =	sst s10  }
0x38: {  	s10 =	sld [smem:$0x3FB9]  }
0x39: {  	_ = 	snop;
	(pc) =	sbr.ind lr, $3  }
0x3a: {  	_ = 	snop  }
0x3b: {  	_ = 	snop  }
0x3c: {  	p2 =	seq.s32 s10, $0x1;
	s10 =	sld [smem:$0x3FB8]  }
0x3d: {  	_ =	shalt  }
0x3e: {  	_ =	shalt  }
0x3f: {  	_ =	shalt  }
0x40: {  	_ =	shalt  }
0x41: {  	_ =	shalt  }
0x42: {  	_ =	shalt  }
0x43: {  	_ =	shalt  }
0x44: {  	_ =	shalt  }
0x45: {  	_ =	shalt  }
0x46: {  	_ =	shalt  }
0x47: {  	_ =	shalt  }
0x48: {  	_ =	shalt  }
0x49: {  	_ =	shalt  }
0x4a: {  	_ =	shalt  }
0x4b: {  	_ =	shalt  }
0x4c: {  	_ =	shalt  }
0x4d: {  	_ =	shalt  }
0x4e: {  	_ =	shalt  }
0x4f: {  	_ =	shalt  }
0x50: {  	_ =	shalt  }
0x51: {  	_ =	shalt  }
0x52: {  	_ =	shalt  }
0x53: {  	_ =	shalt  }
0x54: {  	_ =	shalt  }
0x55: {  	_ =	shalt  }
0x56: {  	_ =	shalt  }
0x57: {  	_ =	shalt  }
0x58: {  	_ =	shalt  }
0x59: {  	_ =	shalt  }
0x5a: {  	_ =	shalt  }
0x5b: {  	_ =	shalt  }
0x5c: {  	_ =	shalt  }
0x5d: {  	_ =	shalt  }
0x5e: {  	_ =	shalt  }
0x5f: {  	_ =	shalt  }
0x60: {  	_ =	shalt  }
0x61: {  	_ =	shalt  }
0x62: {  	_ =	shalt  }
0x63: {  	_ =	shalt  }
0x64: {  	_ =	shalt  }
0x65: {  	_ =	shalt  }
0x66: {  	_ =	shalt  }
0x67: {  	_ =	shalt  }
0x68: {  	_ =	shalt  }
0x69: {  	_ =	shalt  }
0x6a: {  	_ =	shalt  }
0x6b: {  	_ =	shalt  }
0x6c: {  	_ =	shalt  }
0x6d: {  	_ =	shalt  }
0x6e: {  	_ =	shalt  }
0x6f: {  	_ =	shalt  }
0x70: {  	_ =	shalt  }
0x71: {  	_ =	shalt  }
0x72: {  	_ =	shalt  }
0x73: {  	_ =	shalt  }
0x74: {  	_ =	shalt  }
0x75: {  	_ =	shalt  }
0x76: {  	_ =	shalt  }
0x77: {  	_ =	shalt  }
0x78: {  	_ =	shalt  }
0x79: {  	_ =	shalt  }
0x7a: {  	_ =	shalt  }
0x7b: {  	_ =	shalt  }
0x7c: {  	_ =	shalt  }
0x7d: {  	_ =	shalt  }
0x7e: {  	_ =	shalt  }
0x7f: {  	_ =	shalt  }
0x80: {  	_ =	shalt  }
0x81: {  	_ =	shalt  }
0x82: {  	_ =	shalt  }
0x83: {  	_ =	shalt  }
0x84: {  	_ =	shalt  }
0x85: {  	_ =	shalt  }
0x86: {  	_ =	shalt  }
0x87: {  	_ =	shalt  }
.Lfunc_end0:
.L_simem_size_0:
called_computation_lowered:
.L_overlay_start_0:
0x88: {  	s2 =	sld [smem:$0x3FD9]  }
0x89: {  	s3 =	sld [smem:$0x3FFE];
	_ =	sdelay $0x1  }
0x8a: {  	s1 =	srdreg.scid  }
0x8b: {  	s0 =	sand.u32 $0x1, s1  }
0x8c: {  	s17 =	sshll.u32 s0, $0xA;
	s2 =	sadd.s32 s3, s2  }
0x8d: {  	s2 =	sadd.s32 s2, s17  }
0x8e: {  	[smem:$0x3FC4] =	sst s2  }
0x8f: {  	_ = 	snop  }
0x90: {  	s2 =	sld [smem:$0x3FD0];
	(tm) =	ssettm $0x1  }
0x91: {  	s18 =	sld [smem:$0x3FFB];
	_ =	sdelay $0x3  }
0x92: {  	_ =	strace s18  }
0x93: {  	s3 =	sld [smem:$0x3FFC];
	_ =	sdelay $0x3  }
0x94: {  	_ =	strace s3  }
0x95: {  	s3 =	sld [smem:$0x3FFD];
	_ =	sdelay $0x3  }
0x96: {  	_ =	strace s3  }
0x97: {  	_ =	strace $0x8FFFFFFF  }
0x98: {  	s19 =	sld [smem:$0x3FDB];
	_ =	sdelay $0x1  }
0x99: {  	s4 =	simm.s32 $_scs_section_size  }
0x9a: {  	s5 =	simm.s32 $_size__tile_overlayer_lowered;
	s6 =	simm.s32 $_tile_overlayer_lowered  }
0x9b: {  	s22 =	simm.s32 $0x1BFF;
	s21 =	sshll.u32 s6, $0x1;
	s3 =	sadd.s32 s4, s19  }
0x9c: {  	s7 =	simm.s32 $0x0;
	s20 =	sshll.u32 s5, $0x1;
	s5 =	sadd.s32 s21, s3  }
0x9d: {  	[timem:s7], [sflag:s22] =	dma.local [hbm:s5], s20  }
0x9e: {  	_ =	swait.ge [sflag:s22], s20  }
0x9f: {  	s4 =	ssub.s32 $0x0, s20;
	[sflag:s22] =	ssyncset.done $0x0  }
0xa0: {  	[sflag:s22] =	ssyncadd.s32 s4;
	_ =	sdelay $0x1  }
0xa1: {  	s23 =	simm.s32 $0x1B8B  }
0xa2: {  	_ =	swait.ge [sflag:s23], $0x1  }
0xa3: {  	[sflag:s23] =	ssyncset.done $0x0  }
0xa4: {  	s25 =	simm.s32 $0x1B8E;
	s24 =	sld [smem:$0x3FFE];
	[sflag:s23] =	ssyncadd.s32 $0xFFFFFFFF  }
0xa5: {  	s26 =	simm.s32 $execute0_lowered;
	[smem:$0x3FD2] =	sst s25  }
0xa6: {  	s5 =	sshll.u32 s26, $0x1;
	_ =	strace $0x80000046;
	[dreg:$0x1] =	wrdreg $0xFFFFFFFF  }
0xa7: {  	s28 =	simm.s32 $_size_execute0_lowered;
	s3 =	sadd.s32 s3, s5;
	[dreg:$0x0] =	wrdreg $0x0  }
0xa8: {  	s5 =	sshll.u32 s28, $0x1;
	[dreg:$0x2] =	wrdreg s3  }
0xa9: {  	[dreg:$0x3] =	wrdreg s5  }
0xaa: {  	[dreg:$0x4] =	wrdreg $0xC0  }
0xab: {  	_ =	task [dreg:s7], $0x5FFFF  }
0xac: {  	[dreg:$0x1] =	wrdreg $0xFFFFFFFF  }
0xad: {  	[dreg:$0x0] =	wrdreg $0x60  }
0xae: {  	[dreg:$0x2] =	wrdreg s24  }
0xaf: {  	[dreg:$0x3] =	wrdreg s2  }
0xb0: {  	[dreg:$0x4] =	wrdreg $0x9  }
0xb1: {  	_ =	task.clear_ibuf [dreg:s7], $0x5FFFF;
	_ =	strace $0x90000046  }
0xb2: {  	s29 =	simm.s32 $0x9;
	_ =	strace $0x80000048  }
0xb3: {  	_ =	swait.ge [sflag:s29], $0x1  }
0xb4: {  	[sflag:s29] =	ssyncadd.s32 $0xFFFFFFFF  }
0xb5: {  	_ =	strace $0x90000048  }
0xb6: {  	_ =	sfence  }
0xb7: {  	s30 =	sld [smem:$0x0];
	_ =	sdelay $0x2  }
0xb8: {  	s31 =	sshll.u32 s1, $0xD;
	s1 =	sshrl.u32 s1, $0x2  }
0xb9: {  	s3 =	sand.u32 $0x4000, s31;
	s1 =	sadd.s32 s1, s30  }
0xba: {  	s0 =	sor.u32 s3, s0;
	s1 =	sshll.u32 s1, $0x11  }
0xbb: {  	s0 =	sor.u32 s1, s0  }
0xbc: {  	s0 =	sadd.s32 $0x8F2B, s0  }
0xbd: {  	[sflag:s0] =	ssyncadd.remote.s32 $0x1  }
0xbe: {  	_ =	sfence.sel $0xFFFF  }
0xbf: {  	[dreg:$0x0] =	wrdreg $0xFFFFFFFF;
	(pc) =	sbr.abs _section_cstart, $3  }
0xc0: {  	[dreg:$0x1] =	wrdreg $0xFFFFFFFF  }
0xc1: {  	_ =	task.clear_ibuf [dreg:s7], $0x2FFFF;
	_ =	strace $0x9FFFFFFF  }
0xc2: {  	(tm) =	ssettm $0x7FFFFFFF  }
0xc3: {  	_ =	shalt  }
tec
execute0_lowered:
.L_overlay_start_1:
0x0: {  	(tag) =	ssettag $0x1  }
0x1: {  	s0 =	srdreg.scid  }
0x2: {  	s5 =	sand.u32 $0x1, s0;
	s0 =	stileid.u32  }
0x3: {  	s3 =	sor.u32 s0, s5  }
0x4: {  	p0 =	sne.s32 s3, $0x0  }
.Ltmp0:
0x5: {  	_ = 	snop;
	(pc) =	sbr.rel @p0 .LBB2_4-.Ltmp0, $4  }
0x6: {  	_ = 	snop  }
0x7: {  	s7 =	rddreg [dreg:$0x0]  }
0x8: {  	s2 =	rddreg [dreg:$0x1]  }
0x9: {  	s1 =	rddreg [dreg:$0x2];
	_ =	strace $0x80000047  }
0xa: {  	s6 =	sadd.s32 $0x600, s7;
	s4 =	simm.s32 $0x0;
	s3 =	simm.s32 $0x1  }
0xb: {  	[tilespmem:s4], [sflag:$0x1] =	stream.linear.gather [hbm4b:s6+s4], $0x80, $0x38;
	[tilespmem:$0x500] =	vst v63  }
0xc: {  	s5 =	ssub.s32 $0x2, s5;
	_ =	swait.ge [sflag:s3], $0x80  }
0xd: {  	s7 =	sadd.s32 $0x800, s7;
	s9 =	sshrl.u32 s5, $0x1;
	[sflag:s3] =	ssyncset.done $0x0  }
0xe: {  	s8 =	simm.s32 $0x80;
	v1 =	vimm.s32 $0xE;
	s9 =	ssub.s32 s5, s9;
	[sflag:s3] =	ssyncadd.s32 $0xFFFFFF80  }
0xf: {  	[tilespmem:s8], [sflag:$0x1] =	stream.linear.gather [hbm4b:s7+s4], $0x80, $0x38;
	[tilespmem:$0x500] =	vst v63  }
0x10: {  	p0 =	sne.s32 s9, $0x1;
	_ =	swait.ge [sflag:s3], $0x80  }
.Ltmp1:
0x11: {  	v2 =	vimm.s32 $0x8;
	v0 =	vlaneseq.u32;
	v3 =	vimm.s32 $0x9;
	[sflag:s3] =	ssyncset.done $0x0;
	(pc) =	sbr.rel @!p0 .LBB2_3-.Ltmp1, $4  }
0x12: {  	vm3 =	vmmov $0x3;
	v4 =	vimm.s32 $0xA;
	vm2 =	vmmov $0x7;
	[sflag:s3] =	ssyncadd.s32 $0xFFFFFF80  }
0x13: {  	v5 =	vimm.s32 $0xB;
	vm4 =	vmmov $0xf;
	v6 =	vimm.s32 $0xC;
	v11 =	vld.idx.msk [tilespmem:v1+s4+$0x0], $0xffff  }
0x14: {  	vm5 =	vmmov $0x1f;
	v7 =	vimm.s32 $0xD;
	vm1 =	vmmov $0x3f;
	v9 =	vld [tilespmem:$0x0]  }
0x15: {  	vm6 =	vmmov $0x7f;
	v8 =	vimm.s32 $0xF;
	vm0 =	vmmov $0xff;
	s5 =	simm.s32 $0x100;
	s9 =	sadd.s32 $0xFFFFFFFF, s9;
	v10 =	vld [tilespmem:$0x80]  }
.LBB2_2:
0x16: {  	p0 =	sne.s32 s9, $0x1;
	s9 =	sadd.s32 $0xFFFFFFFF, s9  }
0x17: {  	v12 =	vld.idx.msk [tilespmem:v3+s4+$0x0], $0xffff  }
0x18: {  	v13 =	vld.idx.msk [tilespmem:v2+s4+$0x0], $0xffff  }
0x19: {  	v11 =	vadd.s32 $0x1, v11;
	v14 =	vld.idx.msk [tilespmem:v4+s4+$0x0], $0xffff  }
0x1a: {  	v11 =	vsel vm6, $0x0, v11;
	v15 =	vld.idx.msk [tilespmem:v5+s4+$0x0], $0xffff;
	vm7 =	vlt.s32 v9, v10  }
0x1b: {  	vm13 =	veq.s32 v0, $0x0;
	v16 =	vld.idx.msk [tilespmem:v6+s4+$0x0], $0xffff;
	v9 =	vsel vm7, v9, v10  }
0x1c: {  	v10 =	vld.idx.msk [tilespmem:v7+s4+$0x0], $0xffff;
	vm7 =	vgt.s32 v9, $0x0;
	vm8 =	vgt.s32 v9, $0x1;
	vm9 =	vgt.s32 v9, $0x4  }
0x1d: {  	vm10 =	vgt.s32 v9, $0x2;
	vm11 =	vgt.s32 v9, $0x3;
	vm12 =	vgt.s32 v9, $0x6  }
0x1e: {  	v12 =	vadd.s32 $0x1, v12;
	vm14 =	vgt.s32 v9, $0x5;
	v13 =	vadd.s32 $0x1, v13;
	v17 =	vld.idx.msk [tilespmem:v8+s4+$0x0], $0xffff  }
0x1f: {  	v12 =	vsel vm3, $0x0, v12;
	v9 =	vsel vm13, $0x0, v13;
	v13 =	vadd.s32 $0x1, v14  }
0x20: {  	v9 =	vadd.s32 v9, v12;
	v12 =	vsel vm2, $0x0, v13;
	v13 =	vadd.s32 $0x1, v15  }
0x21: {  	v9 =	vadd.s32 v12, v9;
	v12 =	vsel vm4, $0x0, v13;
	v13 =	vadd.s32 $0x1, v16  }
0x22: {  	v9 =	vadd.s32 v12, v9;
	v12 =	vsel vm5, $0x0, v13;
	v10 =	vadd.s32 $0x1, v10  }
0x23: {  	v9 =	vadd.s32 v12, v9;
	v10 =	vsel vm1, $0x0, v10  }
0x24: {  	v9 =	vadd.s32 v10, v9;
	v10 =	vadd.s32 $0x1, v17  }
0x25: {  	v9 =	vadd.s32 v11, v9;
	v10 =	vsel vm0, $0x0, v10  }
0x26: {  	vm13 =	vmand vm14, vm0;
	v9 =	vadd.s32 v10, v9  }
0x27: {  	vm11 =	vmand vm11, vm0;
	vm12 =	vmand vm12, vm0;
	vm14 =	vgt.s32 v9, $0x0  }
0x28: {  	vm10 =	vmand vm10, vm0;
	vm9 =	vmand vm9, vm0;
	v9 =	vnsel vm14, $0x0, v9  }
0x29: {  	vm7 =	vmand vm7, vm0;
	vm8 =	vmand vm8, vm0;
	v9 =	vmin.u32 v9, $0x24  }
0x2a: {  	v10 =	vnsel vm7, $0x2B, v9;
	v11 =	vadd.s32 $0x1, v9;
	v12 =	vadd.s32 $0x2, v9  }
0x2b: {  	v13 =	vadd.s32 $0x6, v9;
	[tilespmem:$0x100] =	vst v10;
	v10 =	vnsel vm8, $0x2B, v11;
	v11 =	vadd.s32 $0x4, v9  }
0x2c: {  	[tilespmem:$0x180] =	vst v10;
	v10 =	vnsel vm10, $0x2B, v12;
	v12 =	vadd.s32 $0x3, v9;
	v11 =	vnsel vm9, $0x2B, v11  }
0x2d: {  	v9 =	vadd.s32 $0x5, v9;
	[tilespmem:$0x200] =	vst v10;
	v10 =	vnsel vm11, $0x2B, v12;
	v12 =	vnsel vm12, $0x2B, v13  }
0x2e: {  	v9 =	vnsel vm13, $0x2B, v9;
	[tilespmem:$0x300] =	vst v11  }
0x2f: {  	[tilespmem:$0x400] =	vst v12  }
0x30: {  	[tilespmem:$0x280] =	vst v10  }
0x31: {  	[tilespmem:$0x380] =	vst v9  }
0x32: {  	[hbm4b:s2+s4] =	stream.linear.scatter [tilespmem:s5], [sflag:$0x1], $0x380, $0x38;
	[tilespmem:$0x500] =	vst v63  }
0x33: {  	_ =	swait.ge [sflag:s3], $0x380  }
0x34: {  	[sflag:s3] =	ssyncset.done $0x0  }
0x35: {  	[sflag:s3] =	ssyncadd.s32 $0xFFFFFC80  }
0x36: {  	[tilespmem:s4], [sflag:$0x1] =	stream.linear.gather [hbm4b:s6+s4], $0x80, $0x38;
	[tilespmem:$0x500] =	vst v63  }
0x37: {  	_ =	swait.ge [sflag:s3], $0x80  }
0x38: {  	[sflag:s3] =	ssyncset.done $0x0  }
0x39: {  	[sflag:s3] =	ssyncadd.s32 $0xFFFFFF80  }
0x3a: {  	[tilespmem:s8], [sflag:$0x1] =	stream.linear.gather [hbm4b:s7+s4], $0x80, $0x38;
	[tilespmem:$0x500] =	vst v63  }
0x3b: {  	_ = 	snop  }
0x3c: {  	_ =	swait.ge [sflag:s3], $0x80  }
.Ltmp2:
0x3d: {  	[sflag:s3] =	ssyncset.done $0x0;
	(pc) =	sbr.rel @p0 .LBB2_2-.Ltmp2, $4  }
0x3e: {  	[sflag:s3] =	ssyncadd.s32 $0xFFFFFF80  }
0x3f: {  	v11 =	vld.idx.msk [tilespmem:v1+s4+$0x0], $0xffff  }
0x40: {  	v9 =	vld [tilespmem:$0x0]  }
0x41: {  	v10 =	vld [tilespmem:$0x80]  }
.LBB2_3:
0x42: {  	_ =	sdelay $0x3  }
0x43: {  	v1 =	vld.idx.msk [tilespmem:v3+s4+$0x0], $0xffff  }
0x44: {  	v2 =	vld.idx.msk [tilespmem:v2+s4+$0x0], $0xffff  }
0x45: {  	v40 =	vld.idx.msk [tilespmem:v4+s4+$0x0], $0xffff  }
0x46: {  	v41 =	vld.idx.msk [tilespmem:v5+s4+$0x0], $0xffff  }
0x47: {  	v42 =	vld.idx.msk [tilespmem:v6+s4+$0x0], $0xffff  }
0x48: {  	v43 =	vld.idx.msk [tilespmem:v7+s4+$0x0], $0xffff;
	vm7 =	veq.s32 v0, $0x0  }
0x49: {  	v44 =	vadd.s32 $0x1, v11;
	v2 =	vadd.s32 $0x1, v2;
	v45 =	vadd.s32 $0x1, v1  }
0x4a: {  	v46 =	vld.idx.msk [tilespmem:v8+s4+$0x0], $0xffff;
	v3 =	vadd.s32 $0x1, v40;
	v2 =	vsel vm7, $0x0, v2;
	v0 =	vsel vm3, $0x0, v45  }
0x4b: {  	v48 =	vadd.s32 $0x1, v41;
	v47 =	vsel vm2, $0x0, v3;
	v0 =	vadd.s32 v2, v0  }
0x4c: {  	v50 =	vadd.s32 $0x1, v42;
	v49 =	vsel vm4, $0x0, v48;
	v0 =	vadd.s32 v47, v0  }
0x4d: {  	v52 =	vadd.s32 $0x1, v43;
	v51 =	vsel vm5, $0x0, v50;
	v0 =	vadd.s32 v49, v0  }
0x4e: {  	v53 =	vsel vm6, $0x0, v44;
	v54 =	vsel vm1, $0x0, v52;
	v0 =	vadd.s32 v51, v0  }
0x4f: {  	vm10 =	vlt.s32 v9, v10;
	v1 =	vadd.s32 $0x1, v46;
	v0 =	vadd.s32 v54, v0  }
0x50: {  	v55 =	vsel vm10, v9, v10;
	v1 =	vsel vm0, $0x0, v1;
	v0 =	vadd.s32 v53, v0  }
0x51: {  	vm1 =	vgt.s32 v55, $0x0;
	vm11 =	vgt.s32 v55, $0x1;
	v0 =	vadd.s32 v1, v0  }
0x52: {  	vm12 =	vgt.s32 v55, $0x4;
	vm13 =	vgt.s32 v55, $0x2;
	vm14 =	vgt.s32 v0, $0x0  }
0x53: {  	vm15 =	vgt.s32 v55, $0x3;
	vm9 =	vgt.s32 v55, $0x6;
	v0 =	vnsel vm14, $0x0, v0  }
0x54: {  	vm10 =	vgt.s32 v55, $0x5;
	vm1 =	vmand vm1, vm0;
	v0 =	vmin.u32 v0, $0x24  }
0x55: {  	vm2 =	vmand vm11, vm0;
	v56 =	vnsel vm1, $0x2B, v0;
	v57 =	vadd.s32 $0x1, v0  }
0x56: {  	vm11 =	vmand vm13, vm0;
	v58 =	vadd.s32 $0x2, v0;
	[tilespmem:$0x100] =	vst v56;
	v59 =	vnsel vm2, $0x2B, v57  }
0x57: {  	vm12 =	vmand vm12, vm0;
	v60 =	vadd.s32 $0x4, v0;
	v61 =	vnsel vm11, $0x2B, v58;
	[tilespmem:$0x180] =	vst v59  }
0x58: {  	vm13 =	vmand vm9, vm0;
	v62 =	vadd.s32 $0x6, v0;
	v2 =	vnsel vm12, $0x2B, v60;
	[tilespmem:$0x200] =	vst v61  }
0x59: {  	vm14 =	vmand vm15, vm0;
	v63 =	vadd.s32 $0x3, v0;
	v3 =	vnsel vm13, $0x2B, v62;
	[tilespmem:$0x300] =	vst v2  }
0x5a: {  	vm15 =	vmand vm10, vm0;
	v0 =	vadd.s32 $0x5, v0;
	v1 =	vnsel vm14, $0x2B, v63;
	[tilespmem:$0x400] =	vst v3  }
0x5b: {  	v0 =	vnsel vm15, $0x2B, v0;
	[tilespmem:$0x280] =	vst v1  }
0x5c: {  	[tilespmem:$0x380] =	vst v0  }
0x5d: {  	[hbm4b:s2+s4] =	stream.linear.scatter [tilespmem:s5], [sflag:$0x1], $0x380, $0x38;
	[tilespmem:$0x500] =	vst v63  }
0x5e: {  	_ =	swait.ge [sflag:s3], $0x380  }
0x5f: {  	[sflag:s3] =	ssyncset.done $0x0  }
0x60: {  	[sflag:s3] =	ssyncadd.s32 $0xFFFFFC80  }
.LBB2_4:
0x61: {  	_ =	sfence.sel $0x180000  }
0x62: {  	[bflag:$0x0] =	sbarrier.arrive $0xFFFF  }
0x63: {  	p0 =	sne.s32 s0, $0x0;
	_ =	strace $0x90000047  }
0x64: {  	s0 =	sadd.s32 @!p0 $0x100000, s1;
	[bflag:$0x2] =	sbarrier.arrive $0xFFFF  }
0x65: {  	[sflag:s0] =	ssyncadd.tile.s32 @!p0 $0x1;
	_ =	shalt  }
.Lfunc_end2:
_tile_overlayer_lowered:
.L_overlay_start_2:
0x66: {  	(tag) =	ssettag $0x2  }
0x67: {  	s0 =	rddreg [dreg:$0x0];
	s2 =	stileid.u32  }
0x68: {  	s1 =	rddreg [dreg:$0x1];
	p0 =	sne.s32 s2, $0x0  }
0x69: {  	s3 =	rddreg [dreg:$0x2];
	[bflag:$0x3] =	sbarrier.arrive $0xFFFF;
	s2 =	simm.s32 @!p0 $0x1C01  }
0x6a: {  	[timem:s3], [sflag:s2] =	dma.local @!p0 [hbm:s0], s1  }
0x6b: {  	s0 =	simm.s32 @!p0 $0x1  }
0x6c: {  	_ =	swait.ge @!p0 [sflag:s0], s1  }
0x6d: {  	s1 =	ssub.s32 @!p0 $0x0, s1;
	[sflag:s0] =	ssyncset.done @!p0 $0x0  }
0x6e: {  	[sflag:s0] =	ssyncadd.s32 @!p0 s1  }
0x6f: {  	[bflag:$0x3] =	sbarrier.arrive $0xFFFF  }
0x70: {  	_ =	shalt  }

</sc_bundles>
